<compile_context>
chip_gen: v7x
topology: tpu7x:2x2x1
jax: 0.10.2.dev20260603
libtpu: 0.0.44.dev20260713+nightly
codegen_flags: <defaults>
</compile_context>

<pallas_src>
import functools

import jax
import jax.numpy as jnp
from jax import lax
from jax.experimental import pallas as pl
from jax.experimental.pallas import tpu as pltpu
from jax.experimental.pallas import tpu_sc as plsc




def _head_body(nsub, nk, bt, *refs):
    x_ref = refs[0]
    e_refs = refs[1 : 1 + nsub]
    w_ref = refs[1 + nsub]
    idx_ref = refs[2 + nsub]
    xres_ref = refs[3 + nsub]
    sx_ref = refs[4 + nsub]
    best_ref = refs[5 + nsub]
    bidx_ref = refs[6 + nsub]
    wbf_ref = refs[7 + nsub]
    wsq_ref = refs[8 + nsub]

    k = pl.program_id(0)
    i = pl.program_id(1)
    kt = w_ref.shape[0]
    bsl = pl.ds(i * bt, bt)

    @pl.when(k == 0)
    def _prep():
        x = x_ref[...]
        for e_ref in e_refs:
            x = x - e_ref[...].astype(jnp.bfloat16).astype(jnp.float32)
        xres_ref[bsl, :] = x
        sx_ref[0, bsl] = jnp.sum(x * x, axis=1)

    @pl.when(i == 0)
    def _wprep():
        w = w_ref[...]
        wbf_ref[...] = (-2.0 * w).astype(jnp.bfloat16)
        wsq_ref[...] = jnp.broadcast_to(
            jnp.sum(w * w, axis=1)[:, None], w.shape[:1] + (wsq_ref.shape[1],)
        )

    mm2 = lax.dot_general(
        wbf_ref[...],
        xres_ref[bsl, :].astype(jnp.bfloat16),
        dimension_numbers=(((1,), (1,)), ((), ())),
        preferred_element_type=jnp.float32,
    )
    t = (wsq_ref[...] + sx_ref[0, bsl][None, :]) + mm2

    if nk == 1:
        idx_ref[0, 0, :] = jnp.argmin(t, axis=0).astype(jnp.int32)
        return

    loc_min = jnp.min(t, axis=0)
    loc_arg = jnp.argmin(t, axis=0).astype(jnp.int32) + k * kt

    @pl.when(k == 0)
    def _init():
        best_ref[0, bsl] = loc_min
        bidx_ref[0, bsl] = loc_arg

    @pl.when(k > 0)
    def _update():
        prev = best_ref[0, bsl]
        upd = loc_min < prev
        best_ref[0, bsl] = jnp.where(upd, loc_min, prev)
        bidx_ref[0, bsl] = jnp.where(upd, loc_arg, bidx_ref[0, bsl])

    @pl.when(k == nk - 1)
    def _emit():
        idx_ref[0, 0, :] = bidx_ref[0, bsl]


def _head_argmin(w, x, es, bt=512, kt=8192):
    b, d = x.shape
    kk = w.shape[0]
    nb = b // bt
    nk = kk // kt
    nsub = len(es)

    first_sweep = lambda k, i: (jnp.where(k == 0, i, 0), 0)
    in_specs = [pl.BlockSpec((bt, d), first_sweep)]
    for _ in range(nsub):
        in_specs.append(pl.BlockSpec((bt, d), first_sweep))
    in_specs.append(pl.BlockSpec((kt, d), lambda k, i: (k, 0)))

    out = pl.pallas_call(
        functools.partial(_head_body, nsub, nk, bt),
        grid=(nk, nb),
        in_specs=in_specs,
        out_specs=pl.BlockSpec((1, 1, bt), lambda k, i: (i, 0, 0)),
        out_shape=jax.ShapeDtypeStruct((nb, 1, bt), jnp.int32),
        scratch_shapes=[
            pltpu.VMEM((b, d), jnp.float32),
            pltpu.VMEM((1, b), jnp.float32),
            pltpu.VMEM((1, b), jnp.float32),
            pltpu.VMEM((1, b), jnp.int32),
            pltpu.VMEM((kt, d), jnp.bfloat16),
            pltpu.VMEM((kt, bt), jnp.float32),
        ],
        compiler_params=pltpu.CompilerParams(
            dimension_semantics=("arbitrary", "arbitrary"),
        ),
    )(x, *es, w)
    return out.reshape(b)




def _sc_gather(table, idx):
    kk, d = table.shape
    b = idx.shape[0]
    info = plsc.get_sparse_core_info()
    nw = info.num_cores * info.num_subcores
    b_per_w = b // nw
    mesh = plsc.VectorSubcoreMesh(core_axis_name="c", subcore_axis_name="s")

    @functools.partial(
        pl.kernel,
        mesh=mesh,
        out_type=jax.ShapeDtypeStruct((b, d), jnp.float32),
        scratch_types=[
            pltpu.VMEM((b_per_w,), jnp.int32),
            pltpu.VMEM((b_per_w, d), jnp.float32),
            pltpu.SemaphoreType.DMA,
        ],
    )
    def gather(table_hbm, idx_hbm, out_hbm, idx_v, rows_v, sem):
        wid = lax.axis_index("s") * info.num_cores + lax.axis_index("c")
        base = wid * b_per_w
        pltpu.sync_copy(idx_hbm.at[pl.ds(base, b_per_w)], idx_v)
        pltpu.async_copy(table_hbm.at[idx_v], rows_v, sem).wait()
        pltpu.sync_copy(rows_v, out_hbm.at[pl.ds(base, b_per_w)])

    return gather(table, idx)




def _combine_body(e0_ref, e1_ref, e2_ref, out_ref):
    out_ref[...] = e0_ref[...] + e1_ref[...] + e2_ref[...]


def _combine(e0, e1, e2, bt=512):
    b, d = e0.shape
    nb = b // bt
    spec = pl.BlockSpec((bt, d), lambda i: (i, 0))
    return pl.pallas_call(
        _combine_body,
        grid=(nb,),
        in_specs=[spec, spec, spec],
        out_specs=spec,
        out_shape=jax.ShapeDtypeStruct((b, d), jnp.float32),
    )(e0, e1, e2)


def kernel(inputs, emb0, emb1, emb2):
    b = inputs.shape[0]
    x0 = inputs[:, 0, :]
    embs = (emb0, emb1, emb2)

    idxs = []
    es = []
    for h in range(3):
        idx = _head_argmin(embs[h], x0, es[:h])
        idxs.append(idx)
        es.append(_sc_gather(embs[h], idx))

    quantized = _combine(*es).reshape(b, 1, inputs.shape[2])
    codes = jnp.stack(idxs, axis=1)
    return quantized, codes

# --- scband reference (transcript-rebuilt; emitter-appended) ---
"""Pipeline reference for scband-hierarchical-refinement-quantizer-55886114456195 (READ-ONLY COPY).

The authoritative reference and input builder live on the scoring server;
editing this copy changes nothing except your own understanding.
"""

import jax, jax.numpy as jnp
import numpy as np

B = 4096
K = 8192
D = 256
H = 3


def setup_inputs(seed: int = 0) -> dict:
    key = jax.random.key(seed)
    k_in, k0, k1, k2 = jax.random.split(key, 4)
    inputs = jax.random.normal(k_in, (B, 1, D), dtype=jnp.float32)
    emb_keys = [k0, k1, k2]
    out = {"inputs": inputs}
    for hix in range(H):
        gain = 6.0 * 1.0 * (0.5 ** hix)
        a = gain * np.sqrt(6.0 / (K + D))
        out[f"emb{hix}"] = jax.random.uniform(emb_keys[hix], (K, D), minval=-a, maxval=a, dtype=jnp.float32)
    return out


def reference(inputs, emb0, emb1, emb2):
    # Eval-mode forward of HierarchicalRefinementQuantizer (argmax + onehot path,
    # code_offset=0, no learnable priors, euclidean distances).
    embs = [emb0, emb1, emb2]
    this_input = inputs[:, 0, :]
    all_probs = []
    vq_codes = []
    for head_ix in range(H):
        W = embs[head_ix]
        if head_ix == 0:
            x = this_input
        else:
            resid = this_input
            for hix in range(head_ix):
                resid = resid - jnp.matmul(all_probs[hix], embs[hix])[:, 0, :]
            x = resid
        distances = -1.0 * (
            jnp.sum(x ** 2, axis=1, keepdims=True)
            + jnp.sum(W ** 2, axis=1)
            - 2.0 * jnp.matmul(x, W.T)
        )
        indices = jnp.argmax(distances, axis=-1)
        probs = jax.nn.one_hot(indices, K, dtype=jnp.float32)
        all_probs.append(probs[:, None, :])
        vq_codes.append(indices)
    quantized = jnp.zeros_like(inputs)
    for head_ix in range(H):
        quantized = quantized + jnp.take(embs[head_ix], vq_codes[head_ix], axis=0)[:, None, :]
    return quantized, jnp.stack(vq_codes, axis=1)

if __name__ == "__main__":
    import jax
    _d = setup_inputs()
    print(jax.jit(kernel)(*tuple(_d.values())))

</pallas_src>

<mosaic_0001>
#map = affine_map<(d0, d1) -> (0, 0)>
#map1 = affine_map<(d0, d1) -> (0)>
module attributes {stable_mosaic.version = 14 : i64} {
  func.func @gather(%arg0: i32, %arg1: i32, %arg2: memref<8192x256xf32, #tpu.memory_space<hbm>>, %arg3: memref<4096xi32, #tpu.memory_space<hbm>>, %arg4: memref<4096x256xf32, #tpu.memory_space<hbm>>, %arg5: memref<128xi32, #tpu.memory_space<vmem>>, %arg6: memref<128x256xf32, #tpu.memory_space<vmem>>, %arg7: memref<!tpu.dma_semaphore, #tpu.memory_space<semaphore_mem>>) attributes {dimension_semantics = [#tpu.dimension_semantics<core_parallel>, #tpu.dimension_semantics<subcore_parallel>], iteration_bounds = array<i64: 2, 16>, scalar_prefetch = 0 : i64, scratch_operands = 3 : i64, tpu.core_type = #tpu.core_type<sc_vector_subcore>, window_params = [{transform_indices = #map}, {transform_indices = #map1}, {transform_indices = #map}]} {
    %mul3A = arith.constant 2 : i32
    %mul3A_0 = arith.muli %arg1, %mul3A : i32
    %add3A = arith.addi %mul3A_0, %arg0 : i32
    %mul3A_1 = arith.constant 128 : i32
    %mul3A_2 = arith.muli %add3A, %mul3A_1 : i32
    "tpu.region"() ({
      %run_scoped3A = tpu.sem_alloc : memref<!tpu.dma_semaphore, #tpu.memory_space<semaphore_mem>>
      %dma_start3A_7 = tpu.memref_slice %arg3[%mul3A_2] : memref<4096xi32, #tpu.memory_space<hbm>> -> memref<128xi32, #tpu.memory_space<hbm>>
      %dma_start3A_8 = tpu.memref_slice %arg3[%mul3A_2] : memref<4096xi32, #tpu.memory_space<hbm>> -> memref<128xi32, #tpu.memory_space<hbm>>
      tpu.enqueue_dma source(%dma_start3A_8 : memref<128xi32, #tpu.memory_space<hbm>>) target(%arg5 : memref<128xi32, #tpu.memory_space<vmem>>) target_semaphore(%run_scoped3A : memref<!tpu.dma_semaphore, #tpu.memory_space<semaphore_mem>>)
      %dma_wait3A_9 = tpu.memref_slice %arg3[%mul3A_2] : memref<4096xi32, #tpu.memory_space<hbm>> -> memref<128xi32, #tpu.memory_space<hbm>>
      %dma_wait3A_10 = tpu.memref_slice %arg3[%mul3A_2] : memref<4096xi32, #tpu.memory_space<hbm>> -> memref<128xi32, #tpu.memory_space<hbm>>
      tpu.wait_dma2 semaphore(%run_scoped3A : memref<!tpu.dma_semaphore, #tpu.memory_space<semaphore_mem>>) src(%dma_wait3A_10 : memref<128xi32, #tpu.memory_space<hbm>>) dst(%arg5 : memref<128xi32, #tpu.memory_space<vmem>>)
      tpu.yield
    }) : () -> ()
    %dma_start3A = arith.constant 0 : i32
    %dma_start3A_3 = arith.constant 0 : i32
    %dma_start3A_4 = tpu.memref_slice %arg2[%dma_start3A, %dma_start3A_3] : memref<8192x256xf32, #tpu.memory_space<hbm>> -> memref<8192x256xf32, #tpu.memory_space<hbm>>
    tpu.enqueue_indirect_dma source(%dma_start3A_4 : memref<8192x256xf32, #tpu.memory_space<hbm>>) target(%arg6 : memref<128x256xf32, #tpu.memory_space<vmem>>) offsets(%arg5 : memref<128xi32, #tpu.memory_space<vmem>>) semaphore(%arg7 : memref<!tpu.dma_semaphore, #tpu.memory_space<semaphore_mem>>)
    %dma_wait3A = arith.constant 0 : i32
    %dma_wait3A_5 = arith.constant 0 : i32
    %dma_wait3A_6 = tpu.memref_slice %arg2[%dma_wait3A, %dma_wait3A_5] : memref<8192x256xf32, #tpu.memory_space<hbm>> -> memref<8192x256xf32, #tpu.memory_space<hbm>>
    tpu.wait_indirect_dma semaphore(%arg7 : memref<!tpu.dma_semaphore, #tpu.memory_space<semaphore_mem>>) src(%dma_wait3A_6 : memref<8192x256xf32, #tpu.memory_space<hbm>>) dst(%arg6 : memref<128x256xf32, #tpu.memory_space<vmem>>)
    "tpu.region"() ({
      %run_scoped3A = tpu.sem_alloc : memref<!tpu.dma_semaphore, #tpu.memory_space<semaphore_mem>>
      %dma_start3A_7 = arith.constant 0 : i32
      %dma_start3A_8 = tpu.memref_slice %arg4[%mul3A_2, %dma_start3A_7] : memref<4096x256xf32, #tpu.memory_space<hbm>> -> memref<128x256xf32, #tpu.memory_space<hbm>>
      %dma_start3A_9 = arith.constant 0 : i32
      %dma_start3A_10 = tpu.memref_slice %arg4[%mul3A_2, %dma_start3A_9] : memref<4096x256xf32, #tpu.memory_space<hbm>> -> memref<128x256xf32, #tpu.memory_space<hbm>>
      tpu.enqueue_dma source(%arg6 : memref<128x256xf32, #tpu.memory_space<vmem>>) target(%dma_start3A_10 : memref<128x256xf32, #tpu.memory_space<hbm>>) target_semaphore(%run_scoped3A : memref<!tpu.dma_semaphore, #tpu.memory_space<semaphore_mem>>)
      %dma_wait3A_11 = arith.constant 0 : i32
      %dma_wait3A_12 = tpu.memref_slice %arg4[%mul3A_2, %dma_wait3A_11] : memref<4096x256xf32, #tpu.memory_space<hbm>> -> memref<128x256xf32, #tpu.memory_space<hbm>>
      %dma_wait3A_13 = arith.constant 0 : i32
      %dma_wait3A_14 = tpu.memref_slice %arg4[%mul3A_2, %dma_wait3A_13] : memref<4096x256xf32, #tpu.memory_space<hbm>> -> memref<128x256xf32, #tpu.memory_space<hbm>>
      tpu.wait_dma2 semaphore(%run_scoped3A : memref<!tpu.dma_semaphore, #tpu.memory_space<semaphore_mem>>) src(%arg6 : memref<128x256xf32, #tpu.memory_space<vmem>>) dst(%dma_wait3A_14 : memref<128x256xf32, #tpu.memory_space<hbm>>)
      tpu.yield
    }) : () -> ()
    return
  }
}

#map = affine_map<(d0, d1) -> (0, 0)>
#map1 = affine_map<(d0, d1) -> (0)>
module attributes {stable_mosaic.version = 14 : i64} {
  func.func @gather(%arg0: i32, %arg1: i32, %arg2: memref<8192x256xf32, #tpu.memory_space<hbm>>, %arg3: memref<4096xi32, #tpu.memory_space<hbm>>, %arg4: memref<4096x256xf32, #tpu.memory_space<hbm>>, %arg5: memref<128xi32, #tpu.memory_space<vmem>>, %arg6: memref<128x256xf32, #tpu.memory_space<vmem>>, %arg7: memref<!tpu.dma_semaphore, #tpu.memory_space<semaphore_mem>>) attributes {dimension_semantics = [#tpu.dimension_semantics<core_parallel>, #tpu.dimension_semantics<subcore_parallel>], iteration_bounds = array<i64: 2, 16>, scalar_prefetch = 0 : i64, scratch_operands = 3 : i64, tpu.core_type = #tpu.core_type<sc_vector_subcore>, window_params = [{transform_indices = #map}, {transform_indices = #map1}, {transform_indices = #map}]} {
    %mul3A = arith.constant 2 : i32
    %mul3A_0 = arith.muli %arg1, %mul3A : i32
    %add3A = arith.addi %mul3A_0, %arg0 : i32
    %mul3A_1 = arith.constant 128 : i32
    %mul3A_2 = arith.muli %add3A, %mul3A_1 : i32
    "tpu.region"() ({
      %run_scoped3A = tpu.sem_alloc : memref<!tpu.dma_semaphore, #tpu.memory_space<semaphore_mem>>
      %dma_start3A_7 = tpu.memref_slice %arg3[%mul3A_2] : memref<4096xi32, #tpu.memory_space<hbm>> -> memref<128xi32, #tpu.memory_space<hbm>>
      %dma_start3A_8 = tpu.memref_slice %arg3[%mul3A_2] : memref<4096xi32, #tpu.memory_space<hbm>> -> memref<128xi32, #tpu.memory_space<hbm>>
      tpu.enqueue_dma source(%dma_start3A_8 : memref<128xi32, #tpu.memory_space<hbm>>) target(%arg5 : memref<128xi32, #tpu.memory_space<vmem>>) target_semaphore(%run_scoped3A : memref<!tpu.dma_semaphore, #tpu.memory_space<semaphore_mem>>)
      %dma_wait3A_9 = tpu.memref_slice %arg3[%mul3A_2] : memref<4096xi32, #tpu.memory_space<hbm>> -> memref<128xi32, #tpu.memory_space<hbm>>
      %dma_wait3A_10 = tpu.memref_slice %arg3[%mul3A_2] : memref<4096xi32, #tpu.memory_space<hbm>> -> memref<128xi32, #tpu.memory_space<hbm>>
      tpu.wait_dma2 semaphore(%run_scoped3A : memref<!tpu.dma_semaphore, #tpu.memory_space<semaphore_mem>>) src(%dma_wait3A_10 : memref<128xi32, #tpu.memory_space<hbm>>) dst(%arg5 : memref<128xi32, #tpu.memory_space<vmem>>)
      tpu.yield
    }) : () -> ()
    %dma_start3A = arith.constant 0 : i32
    %dma_start3A_3 = arith.constant 0 : i32
    %dma_start3A_4 = tpu.memref_slice %arg2[%dma_start3A, %dma_start3A_3] : memref<8192x256xf32, #tpu.memory_space<hbm>> -> memref<8192x256xf32, #tpu.memory_space<hbm>>
    tpu.enqueue_indirect_dma source(%dma_start3A_4 : memref<8192x256xf32, #tpu.memory_space<hbm>>) target(%arg6 : memref<128x256xf32, #tpu.memory_space<vmem>>) offsets(%arg5 : memref<128xi32, #tpu.memory_space<vmem>>) semaphore(%arg7 : memref<!tpu.dma_semaphore, #tpu.memory_space<semaphore_mem>>)
    %dma_wait3A = arith.constant 0 : i32
    %dma_wait3A_5 = arith.constant 0 : i32
    %dma_wait3A_6 = tpu.memref_slice %arg2[%dma_wait3A, %dma_wait3A_5] : memref<8192x256xf32, #tpu.memory_space<hbm>> -> memref<8192x256xf32, #tpu.memory_space<hbm>>
    tpu.wait_indirect_dma semaphore(%arg7 : memref<!tpu.dma_semaphore, #tpu.memory_space<semaphore_mem>>) src(%dma_wait3A_6 : memref<8192x256xf32, #tpu.memory_space<hbm>>) dst(%arg6 : memref<128x256xf32, #tpu.memory_space<vmem>>)
    "tpu.region"() ({
      %run_scoped3A = tpu.sem_alloc : memref<!tpu.dma_semaphore, #tpu.memory_space<semaphore_mem>>
      %dma_start3A_7 = arith.constant 0 : i32
      %dma_start3A_8 = tpu.memref_slice %arg4[%mul3A_2, %dma_start3A_7] : memref<4096x256xf32, #tpu.memory_space<hbm>> -> memref<128x256xf32, #tpu.memory_space<hbm>>
      %dma_start3A_9 = arith.constant 0 : i32
      %dma_start3A_10 = tpu.memref_slice %arg4[%mul3A_2, %dma_start3A_9] : memref<4096x256xf32, #tpu.memory_space<hbm>> -> memref<128x256xf32, #tpu.memory_space<hbm>>
      tpu.enqueue_dma source(%arg6 : memref<128x256xf32, #tpu.memory_space<vmem>>) target(%dma_start3A_10 : memref<128x256xf32, #tpu.memory_space<hbm>>) target_semaphore(%run_scoped3A : memref<!tpu.dma_semaphore, #tpu.memory_space<semaphore_mem>>)
      %dma_wait3A_11 = arith.constant 0 : i32
      %dma_wait3A_12 = tpu.memref_slice %arg4[%mul3A_2, %dma_wait3A_11] : memref<4096x256xf32, #tpu.memory_space<hbm>> -> memref<128x256xf32, #tpu.memory_space<hbm>>
      %dma_wait3A_13 = arith.constant 0 : i32
      %dma_wait3A_14 = tpu.memref_slice %arg4[%mul3A_2, %dma_wait3A_13] : memref<4096x256xf32, #tpu.memory_space<hbm>> -> memref<128x256xf32, #tpu.memory_space<hbm>>
      tpu.wait_dma2 semaphore(%run_scoped3A : memref<!tpu.dma_semaphore, #tpu.memory_space<semaphore_mem>>) src(%arg6 : memref<128x256xf32, #tpu.memory_space<vmem>>) dst(%dma_wait3A_14 : memref<128x256xf32, #tpu.memory_space<hbm>>)
      tpu.yield
    }) : () -> ()
    return
  }
}

#map = affine_map<(d0, d1) -> (0, 0)>
#map1 = affine_map<(d0, d1) -> (0)>
module attributes {stable_mosaic.version = 14 : i64} {
  func.func @gather(%arg0: i32, %arg1: i32, %arg2: memref<8192x256xf32, #tpu.memory_space<hbm>>, %arg3: memref<4096xi32, #tpu.memory_space<hbm>>, %arg4: memref<4096x256xf32, #tpu.memory_space<hbm>>, %arg5: memref<128xi32, #tpu.memory_space<vmem>>, %arg6: memref<128x256xf32, #tpu.memory_space<vmem>>, %arg7: memref<!tpu.dma_semaphore, #tpu.memory_space<semaphore_mem>>) attributes {dimension_semantics = [#tpu.dimension_semantics<core_parallel>, #tpu.dimension_semantics<subcore_parallel>], iteration_bounds = array<i64: 2, 16>, scalar_prefetch = 0 : i64, scratch_operands = 3 : i64, tpu.core_type = #tpu.core_type<sc_vector_subcore>, window_params = [{transform_indices = #map}, {transform_indices = #map1}, {transform_indices = #map}]} {
    %mul3A = arith.constant 2 : i32
    %mul3A_0 = arith.muli %arg1, %mul3A : i32
    %add3A = arith.addi %mul3A_0, %arg0 : i32
    %mul3A_1 = arith.constant 128 : i32
    %mul3A_2 = arith.muli %add3A, %mul3A_1 : i32
    "tpu.region"() ({
      %run_scoped3A = tpu.sem_alloc : memref<!tpu.dma_semaphore, #tpu.memory_space<semaphore_mem>>
      %dma_start3A_7 = tpu.memref_slice %arg3[%mul3A_2] : memref<4096xi32, #tpu.memory_space<hbm>> -> memref<128xi32, #tpu.memory_space<hbm>>
      %dma_start3A_8 = tpu.memref_slice %arg3[%mul3A_2] : memref<4096xi32, #tpu.memory_space<hbm>> -> memref<128xi32, #tpu.memory_space<hbm>>
      tpu.enqueue_dma source(%dma_start3A_8 : memref<128xi32, #tpu.memory_space<hbm>>) target(%arg5 : memref<128xi32, #tpu.memory_space<vmem>>) target_semaphore(%run_scoped3A : memref<!tpu.dma_semaphore, #tpu.memory_space<semaphore_mem>>)
      %dma_wait3A_9 = tpu.memref_slice %arg3[%mul3A_2] : memref<4096xi32, #tpu.memory_space<hbm>> -> memref<128xi32, #tpu.memory_space<hbm>>
      %dma_wait3A_10 = tpu.memref_slice %arg3[%mul3A_2] : memref<4096xi32, #tpu.memory_space<hbm>> -> memref<128xi32, #tpu.memory_space<hbm>>
      tpu.wait_dma2 semaphore(%run_scoped3A : memref<!tpu.dma_semaphore, #tpu.memory_space<semaphore_mem>>) src(%dma_wait3A_10 : memref<128xi32, #tpu.memory_space<hbm>>) dst(%arg5 : memref<128xi32, #tpu.memory_space<vmem>>)
      tpu.yield
    }) : () -> ()
    %dma_start3A = arith.constant 0 : i32
    %dma_start3A_3 = arith.constant 0 : i32
    %dma_start3A_4 = tpu.memref_slice %arg2[%dma_start3A, %dma_start3A_3] : memref<8192x256xf32, #tpu.memory_space<hbm>> -> memref<8192x256xf32, #tpu.memory_space<hbm>>
    tpu.enqueue_indirect_dma source(%dma_start3A_4 : memref<8192x256xf32, #tpu.memory_space<hbm>>) target(%arg6 : memref<128x256xf32, #tpu.memory_space<vmem>>) offsets(%arg5 : memref<128xi32, #tpu.memory_space<vmem>>) semaphore(%arg7 : memref<!tpu.dma_semaphore, #tpu.memory_space<semaphore_mem>>)
    %dma_wait3A = arith.constant 0 : i32
    %dma_wait3A_5 = arith.constant 0 : i32
    %dma_wait3A_6 = tpu.memref_slice %arg2[%dma_wait3A, %dma_wait3A_5] : memref<8192x256xf32, #tpu.memory_space<hbm>> -> memref<8192x256xf32, #tpu.memory_space<hbm>>
    tpu.wait_indirect_dma semaphore(%arg7 : memref<!tpu.dma_semaphore, #tpu.memory_space<semaphore_mem>>) src(%dma_wait3A_6 : memref<8192x256xf32, #tpu.memory_space<hbm>>) dst(%arg6 : memref<128x256xf32, #tpu.memory_space<vmem>>)
    "tpu.region"() ({
      %run_scoped3A = tpu.sem_alloc : memref<!tpu.dma_semaphore, #tpu.memory_space<semaphore_mem>>
      %dma_start3A_7 = arith.constant 0 : i32
      %dma_start3A_8 = tpu.memref_slice %arg4[%mul3A_2, %dma_start3A_7] : memref<4096x256xf32, #tpu.memory_space<hbm>> -> memref<128x256xf32, #tpu.memory_space<hbm>>
      %dma_start3A_9 = arith.constant 0 : i32
      %dma_start3A_10 = tpu.memref_slice %arg4[%mul3A_2, %dma_start3A_9] : memref<4096x256xf32, #tpu.memory_space<hbm>> -> memref<128x256xf32, #tpu.memory_space<hbm>>
      tpu.enqueue_dma source(%arg6 : memref<128x256xf32, #tpu.memory_space<vmem>>) target(%dma_start3A_10 : memref<128x256xf32, #tpu.memory_space<hbm>>) target_semaphore(%run_scoped3A : memref<!tpu.dma_semaphore, #tpu.memory_space<semaphore_mem>>)
      %dma_wait3A_11 = arith.constant 0 : i32
      %dma_wait3A_12 = tpu.memref_slice %arg4[%mul3A_2, %dma_wait3A_11] : memref<4096x256xf32, #tpu.memory_space<hbm>> -> memref<128x256xf32, #tpu.memory_space<hbm>>
      %dma_wait3A_13 = arith.constant 0 : i32
      %dma_wait3A_14 = tpu.memref_slice %arg4[%mul3A_2, %dma_wait3A_13] : memref<4096x256xf32, #tpu.memory_space<hbm>> -> memref<128x256xf32, #tpu.memory_space<hbm>>
      tpu.wait_dma2 semaphore(%run_scoped3A : memref<!tpu.dma_semaphore, #tpu.memory_space<semaphore_mem>>) src(%arg6 : memref<128x256xf32, #tpu.memory_space<vmem>>) dst(%dma_wait3A_14 : memref<128x256xf32, #tpu.memory_space<hbm>>)
      tpu.yield
    }) : () -> ()
    return
  }
}

module attributes {stable_mosaic.version = 14 : i64} {
  func.func @_head_body(%arg0: i32, %arg1: i32, %arg2: memref<512x256xf32, #tpu.memory_space<vmem>>, %arg3: memref<512x256xf32, #tpu.memory_space<vmem>>, %arg4: memref<512x256xf32, #tpu.memory_space<vmem>>, %arg5: memref<8192x256xf32, #tpu.memory_space<vmem>>, %arg6: memref<1x1x512xi32, #tpu.memory_space<vmem>>, %arg7: memref<4096x256xf32, #tpu.memory_space<vmem>>, %arg8: memref<1x4096xf32, #tpu.memory_space<vmem>>, %arg9: memref<1x4096xf32, #tpu.memory_space<vmem>>, %arg10: memref<1x4096xi32, #tpu.memory_space<vmem>>, %arg11: memref<8192x256xbf16, #tpu.memory_space<vmem>>, %arg12: memref<8192x512xf32, #tpu.memory_space<vmem>>) attributes {dimension_semantics = [#tpu.dimension_semantics<arbitrary>, #tpu.dimension_semantics<arbitrary>], iteration_bounds = array<i64: 1, 8>, scalar_prefetch = 0 : i64, scratch_operands = 6 : i64, tpu.core_type = #tpu.core_type<tc>, window_params = [{transform_indices = @transform_0, window_bounds = array<i64: 512, 256>}, {transform_indices = @transform_1, window_bounds = array<i64: 512, 256>}, {transform_indices = @transform_2, window_bounds = array<i64: 512, 256>}, {transform_indices = @transform_3, window_bounds = array<i64: 8192, 256>}, {transform_indices = @transform_4, window_bounds = array<i64: 1, 1, 512>}]} {
    %mul3A = arith.constant 512 : i32
    %mul3A_0 = arith.muli %arg1, %mul3A : i32
    %eq3A = arith.constant 0 : i32
    %eq3A_1 = arith.cmpi eq, %arg0, %eq3A : i32
    %convert_element_type3A = arith.extui %eq3A_1 : i1 to i32
    %cond3A = arith.constant 0 : i32
    %cond3A_2 = arith.cmpi ne, %convert_element_type3A, %cond3A : i32
    scf.if %cond3A_2 {
      %get3A_29 = arith.constant 0 : index
      %get3A_30 = arith.constant 0 : index
      %get3A_31 = vector.load %arg2[%get3A_29, %get3A_30] : memref<512x256xf32, #tpu.memory_space<vmem>>, vector<512x256xf32>
      %get3A_32 = arith.constant 0 : index
      %get3A_33 = arith.constant 0 : index
      %get3A_34 = vector.load %arg3[%get3A_32, %get3A_33] : memref<512x256xf32, #tpu.memory_space<vmem>>, vector<512x256xf32>
      %convert_element_type3A_35 = arith.truncf %get3A_34 : vector<512x256xf32> to vector<512x256xbf16>
      %convert_element_type3A_36 = arith.extf %convert_element_type3A_35 : vector<512x256xbf16> to vector<512x256xf32>
      %sub3A = arith.subf %get3A_31, %convert_element_type3A_36 : vector<512x256xf32>
      %get3A_37 = arith.constant 0 : index
      %get3A_38 = arith.constant 0 : index
      %get3A_39 = vector.load %arg4[%get3A_37, %get3A_38] : memref<512x256xf32, #tpu.memory_space<vmem>>, vector<512x256xf32>
      %convert_element_type3A_40 = arith.truncf %get3A_39 : vector<512x256xf32> to vector<512x256xbf16>
      %convert_element_type3A_41 = arith.extf %convert_element_type3A_40 : vector<512x256xbf16> to vector<512x256xf32>
      %sub3A_42 = arith.subf %sub3A, %convert_element_type3A_41 : vector<512x256xf32>
      %swap3A_43 = arith.index_cast %mul3A_0 : i32 to index
      %swap3A_44 = arith.constant 0 : index
      %swap3A_45 = vector.load %arg7[%swap3A_43, %swap3A_44] : memref<4096x256xf32, #tpu.memory_space<vmem>>, vector<512x256xf32>
      tpu.vector_store %arg7[%swap3A_43, %swap3A_44], %sub3A_42 {strides = array<i32>} : memref<4096x256xf32, #tpu.memory_space<vmem>>, vector<512x256xf32>,
      %mul3A_46 = arith.mulf %sub3A_42, %sub3A_42 : vector<512x256xf32>
      %reduce_sum3A = arith.constant dense<0.000000e+00> : vector<512xf32>
      %reduce_sum3A_47 = vector.multi_reduction <add>, %mul3A_46, %reduce_sum3A [1] : vector<512x256xf32> to vector<512xf32>
      %swap3A_48 = arith.constant 0 : index
      %swap3A_49 = arith.index_cast %mul3A_0 : i32 to index
      %swap3A_50 = vector.load %arg8[%swap3A_48, %swap3A_49] : memref<1x4096xf32, #tpu.memory_space<vmem>>, vector<1x512xf32>
      %swap3A_51 = vector.shape_cast %swap3A_50 : vector<1x512xf32> to vector<512xf32>
      %swap3A_52 = vector.shape_cast %reduce_sum3A_47 : vector<512xf32> to vector<1x512xf32>
      tpu.vector_store %arg8[%swap3A_48, %swap3A_49], %swap3A_52 {strides = array<i32>} : memref<1x4096xf32, #tpu.memory_space<vmem>>, vector<1x512xf32>,
    } else {
    }
    %eq3A_3 = arith.constant 0 : i32
    %eq3A_4 = arith.cmpi eq, %arg1, %eq3A_3 : i32
    %convert_element_type3A_5 = arith.extui %eq3A_4 : i1 to i32
    %cond3A_6 = arith.constant 0 : i32
    %cond3A_7 = arith.cmpi ne, %convert_element_type3A_5, %cond3A_6 : i32
    scf.if %cond3A_7 {
      %get3A_29 = arith.constant 0 : index
      %get3A_30 = arith.constant 0 : index
      %get3A_31 = vector.load %arg5[%get3A_29, %get3A_30] : memref<8192x256xf32, #tpu.memory_space<vmem>>, vector<8192x256xf32>
      %mul3A_32 = arith.constant -2.000000e+00 : f32
      %mul3A_33 = vector.broadcast %mul3A_32 : f32 to vector<8192x256xf32>
      %mul3A_34 = arith.mulf %mul3A_33, %get3A_31 : vector<8192x256xf32>
      %convert_element_type3A_35 = arith.truncf %mul3A_34 : vector<8192x256xf32> to vector<8192x256xbf16>
      %swap3A_36 = arith.constant 0 : index
      %swap3A_37 = arith.constant 0 : index
      %swap3A_38 = vector.load %arg11[%swap3A_36, %swap3A_37] : memref<8192x256xbf16, #tpu.memory_space<vmem>>, vector<8192x256xbf16>
      tpu.vector_store %arg11[%swap3A_36, %swap3A_37], %convert_element_type3A_35 {strides = array<i32>} : memref<8192x256xbf16, #tpu.memory_space<vmem>>, vector<8192x256xbf16>,
      %mul3A_39 = arith.mulf %get3A_31, %get3A_31 : vector<8192x256xf32>
      %reduce_sum3A = arith.constant dense<0.000000e+00> : vector<8192xf32>
      %reduce_sum3A_40 = vector.multi_reduction <add>, %mul3A_39, %reduce_sum3A [1] : vector<8192x256xf32> to vector<8192xf32>
      %broadcast_in_dim3A_41 = vector.shape_cast %reduce_sum3A_40 : vector<8192xf32> to vector<8192x1xf32>
      %broadcast_in_dim3A_42 = vector.shape_cast %broadcast_in_dim3A_41 : vector<8192x1xf32> to vector<8192x1xf32>
      %broadcast_in_dim3A_43 = vector.broadcast %broadcast_in_dim3A_42 : vector<8192x1xf32> to vector<8192x512xf32>
      %swap3A_44 = arith.constant 0 : index
      %swap3A_45 = arith.constant 0 : index
      %swap3A_46 = vector.load %arg12[%swap3A_44, %swap3A_45] : memref<8192x512xf32, #tpu.memory_space<vmem>>, vector<8192x512xf32>
      tpu.vector_store %arg12[%swap3A_44, %swap3A_45], %broadcast_in_dim3A_43 {strides = array<i32>} : memref<8192x512xf32, #tpu.memory_space<vmem>>, vector<8192x512xf32>,
    } else {
    }
    %get3A = arith.constant 0 : index
    %get3A_8 = arith.constant 0 : index
    %get3A_9 = vector.load %arg11[%get3A, %get3A_8] : memref<8192x256xbf16, #tpu.memory_space<vmem>>, vector<8192x256xbf16>
    %get3A_10 = arith.index_cast %mul3A_0 : i32 to index
    %get3A_11 = arith.constant 0 : index
    %get3A_12 = vector.load %arg7[%get3A_10, %get3A_11] : memref<4096x256xf32, #tpu.memory_space<vmem>>, vector<512x256xf32>
    %convert_element_type3A_13 = arith.truncf %get3A_12 : vector<512x256xf32> to vector<512x256xbf16>
    %dot_general3A = arith.constant dense<0.000000e+00> : vector<8192x512xf32>
    %dot_general3A_14 = tpu.matmul %get3A_9, %convert_element_type3A_13, %dot_general3A {dimension_numbers = #tpu.dot_dimension_numbers<[1], [1], [0], [0], [0, 0, 1, 0], [], []>, transpose_lhs_hint = false} : vector<8192x256xbf16>, vector<512x256xbf16>, vector<8192x512xf32> -> vector<8192x512xf32>
    %get3A_15 = arith.constant 0 : index
    %get3A_16 = arith.constant 0 : index
    %get3A_17 = vector.load %arg12[%get3A_15, %get3A_16] : memref<8192x512xf32, #tpu.memory_space<vmem>>, vector<8192x512xf32>
    %get3A_18 = arith.constant 0 : index
    %get3A_19 = arith.index_cast %mul3A_0 : i32 to index
    %get3A_20 = vector.load %arg8[%get3A_18, %get3A_19] : memref<1x4096xf32, #tpu.memory_space<vmem>>, vector<1x512xf32>
    %get3A_21 = vector.shape_cast %get3A_20 : vector<1x512xf32> to vector<512xf32>
    %broadcast_in_dim3A = vector.shape_cast %get3A_21 : vector<512xf32> to vector<1x512xf32>
    %add3A = vector.broadcast %broadcast_in_dim3A : vector<1x512xf32> to vector<8192x512xf32>
    %add3A_22 = arith.addf %get3A_17, %add3A : vector<8192x512xf32>
    %add3A_23 = arith.addf %add3A_22, %dot_general3A_14 : vector<8192x512xf32>
    %argmin3A = tpu.reduce_index %add3A_23 {axis = 0 : i32, kind = #tpu.reduction_kind<arg_min>} : vector<8192x512xf32> -> vector<512xi32>
    %swap3A = arith.constant 0 : index
    %swap3A_24 = arith.constant 0 : index
    %swap3A_25 = arith.constant 0 : index
    %swap3A_26 = vector.load %arg6[%swap3A, %swap3A_24, %swap3A_25] : memref<1x1x512xi32, #tpu.memory_space<vmem>>, vector<1x1x512xi32>
    %swap3A_27 = vector.shape_cast %swap3A_26 : vector<1x1x512xi32> to vector<512xi32>
    %swap3A_28 = vector.shape_cast %argmin3A : vector<512xi32> to vector<1x1x512xi32>
    tpu.vector_store %arg6[%swap3A, %swap3A_24, %swap3A_25], %swap3A_28 {strides = array<i32>} : memref<1x1x512xi32, #tpu.memory_space<vmem>>, vector<1x1x512xi32>,
    return
  }
  func.func @transform_0(%arg0: i32, %arg1: i32) -> (i32, i32) {
    %eq3A = arith.constant 0 : i32
    %eq3A_0 = arith.cmpi eq, %arg0, %eq3A : i32
    %jit3A = arith.constant 0 : i32
    %select_n3A = arith.select %eq3A_0, %arg1, %jit3A : i32
    %c0_i32 = arith.constant 0 : i32
    %c0_i32_1 = arith.constant 0 : i32
    return %select_n3A, %c0_i32 : i32, i32
  }
  func.func @transform_1(%arg0: i32, %arg1: i32) -> (i32, i32) {
    %eq3A = arith.constant 0 : i32
    %eq3A_0 = arith.cmpi eq, %arg0, %eq3A : i32
    %jit3A = arith.constant 0 : i32
    %select_n3A = arith.select %eq3A_0, %arg1, %jit3A : i32
    %c0_i32 = arith.constant 0 : i32
    %c0_i32_1 = arith.constant 0 : i32
    return %select_n3A, %c0_i32 : i32, i32
  }
  func.func @transform_2(%arg0: i32, %arg1: i32) -> (i32, i32) {
    %eq3A = arith.constant 0 : i32
    %eq3A_0 = arith.cmpi eq, %arg0, %eq3A : i32
    %jit3A = arith.constant 0 : i32
    %select_n3A = arith.select %eq3A_0, %arg1, %jit3A : i32
    %c0_i32 = arith.constant 0 : i32
    %c0_i32_1 = arith.constant 0 : i32
    return %select_n3A, %c0_i32 : i32, i32
  }
  func.func @transform_3(%arg0: i32, %arg1: i32) -> (i32, i32) {
    %c0_i32 = arith.constant 0 : i32
    %c0_i32_0 = arith.constant 0 : i32
    return %arg0, %c0_i32 : i32, i32
  }
  func.func @transform_4(%arg0: i32, %arg1: i32) -> (i32, i32, i32) {
    %c0_i32 = arith.constant 0 : i32
    %c0_i32_0 = arith.constant 0 : i32
    %c0_i32_1 = arith.constant 0 : i32
    return %arg1, %c0_i32, %c0_i32_0 : i32, i32, i32
  }
}

module attributes {stable_mosaic.version = 14 : i64} {
  func.func @_head_body(%arg0: i32, %arg1: i32, %arg2: memref<512x256xf32, #tpu.memory_space<vmem>>, %arg3: memref<512x256xf32, #tpu.memory_space<vmem>>, %arg4: memref<8192x256xf32, #tpu.memory_space<vmem>>, %arg5: memref<1x1x512xi32, #tpu.memory_space<vmem>>, %arg6: memref<4096x256xf32, #tpu.memory_space<vmem>>, %arg7: memref<1x4096xf32, #tpu.memory_space<vmem>>, %arg8: memref<1x4096xf32, #tpu.memory_space<vmem>>, %arg9: memref<1x4096xi32, #tpu.memory_space<vmem>>, %arg10: memref<8192x256xbf16, #tpu.memory_space<vmem>>, %arg11: memref<8192x512xf32, #tpu.memory_space<vmem>>) attributes {dimension_semantics = [#tpu.dimension_semantics<arbitrary>, #tpu.dimension_semantics<arbitrary>], iteration_bounds = array<i64: 1, 8>, scalar_prefetch = 0 : i64, scratch_operands = 6 : i64, tpu.core_type = #tpu.core_type<tc>, window_params = [{transform_indices = @transform_0, window_bounds = array<i64: 512, 256>}, {transform_indices = @transform_1, window_bounds = array<i64: 512, 256>}, {transform_indices = @transform_2, window_bounds = array<i64: 8192, 256>}, {transform_indices = @transform_3, window_bounds = array<i64: 1, 1, 512>}]} {
    %mul3A = arith.constant 512 : i32
    %mul3A_0 = arith.muli %arg1, %mul3A : i32
    %eq3A = arith.constant 0 : i32
    %eq3A_1 = arith.cmpi eq, %arg0, %eq3A : i32
    %convert_element_type3A = arith.extui %eq3A_1 : i1 to i32
    %cond3A = arith.constant 0 : i32
    %cond3A_2 = arith.cmpi ne, %convert_element_type3A, %cond3A : i32
    scf.if %cond3A_2 {
      %get3A_29 = arith.constant 0 : index
      %get3A_30 = arith.constant 0 : index
      %get3A_31 = vector.load %arg2[%get3A_29, %get3A_30] : memref<512x256xf32, #tpu.memory_space<vmem>>, vector<512x256xf32>
      %get3A_32 = arith.constant 0 : index
      %get3A_33 = arith.constant 0 : index
      %get3A_34 = vector.load %arg3[%get3A_32, %get3A_33] : memref<512x256xf32, #tpu.memory_space<vmem>>, vector<512x256xf32>
      %convert_element_type3A_35 = arith.truncf %get3A_34 : vector<512x256xf32> to vector<512x256xbf16>
      %convert_element_type3A_36 = arith.extf %convert_element_type3A_35 : vector<512x256xbf16> to vector<512x256xf32>
      %sub3A = arith.subf %get3A_31, %convert_element_type3A_36 : vector<512x256xf32>
      %swap3A_37 = arith.index_cast %mul3A_0 : i32 to index
      %swap3A_38 = arith.constant 0 : index
      %swap3A_39 = vector.load %arg6[%swap3A_37, %swap3A_38] : memref<4096x256xf32, #tpu.memory_space<vmem>>, vector<512x256xf32>
      tpu.vector_store %arg6[%swap3A_37, %swap3A_38], %sub3A {strides = array<i32>} : memref<4096x256xf32, #tpu.memory_space<vmem>>, vector<512x256xf32>,
      %mul3A_40 = arith.mulf %sub3A, %sub3A : vector<512x256xf32>
      %reduce_sum3A = arith.constant dense<0.000000e+00> : vector<512xf32>
      %reduce_sum3A_41 = vector.multi_reduction <add>, %mul3A_40, %reduce_sum3A [1] : vector<512x256xf32> to vector<512xf32>
      %swap3A_42 = arith.constant 0 : index
      %swap3A_43 = arith.index_cast %mul3A_0 : i32 to index
      %swap3A_44 = vector.load %arg7[%swap3A_42, %swap3A_43] : memref<1x4096xf32, #tpu.memory_space<vmem>>, vector<1x512xf32>
      %swap3A_45 = vector.shape_cast %swap3A_44 : vector<1x512xf32> to vector<512xf32>
      %swap3A_46 = vector.shape_cast %reduce_sum3A_41 : vector<512xf32> to vector<1x512xf32>
      tpu.vector_store %arg7[%swap3A_42, %swap3A_43], %swap3A_46 {strides = array<i32>} : memref<1x4096xf32, #tpu.memory_space<vmem>>, vector<1x512xf32>,
    } else {
    }
    %eq3A_3 = arith.constant 0 : i32
    %eq3A_4 = arith.cmpi eq, %arg1, %eq3A_3 : i32
    %convert_element_type3A_5 = arith.extui %eq3A_4 : i1 to i32
    %cond3A_6 = arith.constant 0 : i32
    %cond3A_7 = arith.cmpi ne, %convert_element_type3A_5, %cond3A_6 : i32
    scf.if %cond3A_7 {
      %get3A_29 = arith.constant 0 : index
      %get3A_30 = arith.constant 0 : index
      %get3A_31 = vector.load %arg4[%get3A_29, %get3A_30] : memref<8192x256xf32, #tpu.memory_space<vmem>>, vector<8192x256xf32>
      %mul3A_32 = arith.constant -2.000000e+00 : f32
      %mul3A_33 = vector.broadcast %mul3A_32 : f32 to vector<8192x256xf32>
      %mul3A_34 = arith.mulf %mul3A_33, %get3A_31 : vector<8192x256xf32>
      %convert_element_type3A_35 = arith.truncf %mul3A_34 : vector<8192x256xf32> to vector<8192x256xbf16>
      %swap3A_36 = arith.constant 0 : index
      %swap3A_37 = arith.constant 0 : index
      %swap3A_38 = vector.load %arg10[%swap3A_36, %swap3A_37] : memref<8192x256xbf16, #tpu.memory_space<vmem>>, vector<8192x256xbf16>
      tpu.vector_store %arg10[%swap3A_36, %swap3A_37], %convert_element_type3A_35 {strides = array<i32>} : memref<8192x256xbf16, #tpu.memory_space<vmem>>, vector<8192x256xbf16>,
      %mul3A_39 = arith.mulf %get3A_31, %get3A_31 : vector<8192x256xf32>
      %reduce_sum3A = arith.constant dense<0.000000e+00> : vector<8192xf32>
      %reduce_sum3A_40 = vector.multi_reduction <add>, %mul3A_39, %reduce_sum3A [1] : vector<8192x256xf32> to vector<8192xf32>
      %broadcast_in_dim3A_41 = vector.shape_cast %reduce_sum3A_40 : vector<8192xf32> to vector<8192x1xf32>
      %broadcast_in_dim3A_42 = vector.shape_cast %broadcast_in_dim3A_41 : vector<8192x1xf32> to vector<8192x1xf32>
      %broadcast_in_dim3A_43 = vector.broadcast %broadcast_in_dim3A_42 : vector<8192x1xf32> to vector<8192x512xf32>
      %swap3A_44 = arith.constant 0 : index
      %swap3A_45 = arith.constant 0 : index
      %swap3A_46 = vector.load %arg11[%swap3A_44, %swap3A_45] : memref<8192x512xf32, #tpu.memory_space<vmem>>, vector<8192x512xf32>
      tpu.vector_store %arg11[%swap3A_44, %swap3A_45], %broadcast_in_dim3A_43 {strides = array<i32>} : memref<8192x512xf32, #tpu.memory_space<vmem>>, vector<8192x512xf32>,
    } else {
    }
    %get3A = arith.constant 0 : index
    %get3A_8 = arith.constant 0 : index
    %get3A_9 = vector.load %arg10[%get3A, %get3A_8] : memref<8192x256xbf16, #tpu.memory_space<vmem>>, vector<8192x256xbf16>
    %get3A_10 = arith.index_cast %mul3A_0 : i32 to index
    %get3A_11 = arith.constant 0 : index
    %get3A_12 = vector.load %arg6[%get3A_10, %get3A_11] : memref<4096x256xf32, #tpu.memory_space<vmem>>, vector<512x256xf32>
    %convert_element_type3A_13 = arith.truncf %get3A_12 : vector<512x256xf32> to vector<512x256xbf16>
    %dot_general3A = arith.constant dense<0.000000e+00> : vector<8192x512xf32>
    %dot_general3A_14 = tpu.matmul %get3A_9, %convert_element_type3A_13, %dot_general3A {dimension_numbers = #tpu.dot_dimension_numbers<[1], [1], [0], [0], [0, 0, 1, 0], [], []>, transpose_lhs_hint = false} : vector<8192x256xbf16>, vector<512x256xbf16>, vector<8192x512xf32> -> vector<8192x512xf32>
    %get3A_15 = arith.constant 0 : index
    %get3A_16 = arith.constant 0 : index
    %get3A_17 = vector.load %arg11[%get3A_15, %get3A_16] : memref<8192x512xf32, #tpu.memory_space<vmem>>, vector<8192x512xf32>
    %get3A_18 = arith.constant 0 : index
    %get3A_19 = arith.index_cast %mul3A_0 : i32 to index
    %get3A_20 = vector.load %arg7[%get3A_18, %get3A_19] : memref<1x4096xf32, #tpu.memory_space<vmem>>, vector<1x512xf32>
    %get3A_21 = vector.shape_cast %get3A_20 : vector<1x512xf32> to vector<512xf32>
    %broadcast_in_dim3A = vector.shape_cast %get3A_21 : vector<512xf32> to vector<1x512xf32>
    %add3A = vector.broadcast %broadcast_in_dim3A : vector<1x512xf32> to vector<8192x512xf32>
    %add3A_22 = arith.addf %get3A_17, %add3A : vector<8192x512xf32>
    %add3A_23 = arith.addf %add3A_22, %dot_general3A_14 : vector<8192x512xf32>
    %argmin3A = tpu.reduce_index %add3A_23 {axis = 0 : i32, kind = #tpu.reduction_kind<arg_min>} : vector<8192x512xf32> -> vector<512xi32>
    %swap3A = arith.constant 0 : index
    %swap3A_24 = arith.constant 0 : index
    %swap3A_25 = arith.constant 0 : index
    %swap3A_26 = vector.load %arg5[%swap3A, %swap3A_24, %swap3A_25] : memref<1x1x512xi32, #tpu.memory_space<vmem>>, vector<1x1x512xi32>
    %swap3A_27 = vector.shape_cast %swap3A_26 : vector<1x1x512xi32> to vector<512xi32>
    %swap3A_28 = vector.shape_cast %argmin3A : vector<512xi32> to vector<1x1x512xi32>
    tpu.vector_store %arg5[%swap3A, %swap3A_24, %swap3A_25], %swap3A_28 {strides = array<i32>} : memref<1x1x512xi32, #tpu.memory_space<vmem>>, vector<1x1x512xi32>,
    return
  }
  func.func @transform_0(%arg0: i32, %arg1: i32) -> (i32, i32) {
    %eq3A = arith.constant 0 : i32
    %eq3A_0 = arith.cmpi eq, %arg0, %eq3A : i32
    %jit3A = arith.constant 0 : i32
    %select_n3A = arith.select %eq3A_0, %arg1, %jit3A : i32
    %c0_i32 = arith.constant 0 : i32
    %c0_i32_1 = arith.constant 0 : i32
    return %select_n3A, %c0_i32 : i32, i32
  }
  func.func @transform_1(%arg0: i32, %arg1: i32) -> (i32, i32) {
    %eq3A = arith.constant 0 : i32
    %eq3A_0 = arith.cmpi eq, %arg0, %eq3A : i32
    %jit3A = arith.constant 0 : i32
    %select_n3A = arith.select %eq3A_0, %arg1, %jit3A : i32
    %c0_i32 = arith.constant 0 : i32
    %c0_i32_1 = arith.constant 0 : i32
    return %select_n3A, %c0_i32 : i32, i32
  }
  func.func @transform_2(%arg0: i32, %arg1: i32) -> (i32, i32) {
    %c0_i32 = arith.constant 0 : i32
    %c0_i32_0 = arith.constant 0 : i32
    return %arg0, %c0_i32 : i32, i32
  }
  func.func @transform_3(%arg0: i32, %arg1: i32) -> (i32, i32, i32) {
    %c0_i32 = arith.constant 0 : i32
    %c0_i32_0 = arith.constant 0 : i32
    %c0_i32_1 = arith.constant 0 : i32
    return %arg1, %c0_i32, %c0_i32_0 : i32, i32, i32
  }
}

module attributes {stable_mosaic.version = 14 : i64} {
  func.func @_head_body(%arg0: i32, %arg1: i32, %arg2: memref<512x256xf32, #tpu.memory_space<vmem>>, %arg3: memref<8192x256xf32, #tpu.memory_space<vmem>>, %arg4: memref<1x1x512xi32, #tpu.memory_space<vmem>>, %arg5: memref<4096x256xf32, #tpu.memory_space<vmem>>, %arg6: memref<1x4096xf32, #tpu.memory_space<vmem>>, %arg7: memref<1x4096xf32, #tpu.memory_space<vmem>>, %arg8: memref<1x4096xi32, #tpu.memory_space<vmem>>, %arg9: memref<8192x256xbf16, #tpu.memory_space<vmem>>, %arg10: memref<8192x512xf32, #tpu.memory_space<vmem>>) attributes {dimension_semantics = [#tpu.dimension_semantics<arbitrary>, #tpu.dimension_semantics<arbitrary>], iteration_bounds = array<i64: 1, 8>, scalar_prefetch = 0 : i64, scratch_operands = 6 : i64, tpu.core_type = #tpu.core_type<tc>, window_params = [{transform_indices = @transform_0, window_bounds = array<i64: 512, 256>}, {transform_indices = @transform_1, window_bounds = array<i64: 8192, 256>}, {transform_indices = @transform_2, window_bounds = array<i64: 1, 1, 512>}]} {
    %mul3A = arith.constant 512 : i32
    %mul3A_0 = arith.muli %arg1, %mul3A : i32
    %eq3A = arith.constant 0 : i32
    %eq3A_1 = arith.cmpi eq, %arg0, %eq3A : i32
    %convert_element_type3A = arith.extui %eq3A_1 : i1 to i32
    %cond3A = arith.constant 0 : i32
    %cond3A_2 = arith.cmpi ne, %convert_element_type3A, %cond3A : i32
    scf.if %cond3A_2 {
      %get3A_29 = arith.constant 0 : index
      %get3A_30 = arith.constant 0 : index
      %get3A_31 = vector.load %arg2[%get3A_29, %get3A_30] : memref<512x256xf32, #tpu.memory_space<vmem>>, vector<512x256xf32>
      %swap3A_32 = arith.index_cast %mul3A_0 : i32 to index
      %swap3A_33 = arith.constant 0 : index
      %swap3A_34 = vector.load %arg5[%swap3A_32, %swap3A_33] : memref<4096x256xf32, #tpu.memory_space<vmem>>, vector<512x256xf32>
      tpu.vector_store %arg5[%swap3A_32, %swap3A_33], %get3A_31 {strides = array<i32>} : memref<4096x256xf32, #tpu.memory_space<vmem>>, vector<512x256xf32>,
      %mul3A_35 = arith.mulf %get3A_31, %get3A_31 : vector<512x256xf32>
      %reduce_sum3A = arith.constant dense<0.000000e+00> : vector<512xf32>
      %reduce_sum3A_36 = vector.multi_reduction <add>, %mul3A_35, %reduce_sum3A [1] : vector<512x256xf32> to vector<512xf32>
      %swap3A_37 = arith.constant 0 : index
      %swap3A_38 = arith.index_cast %mul3A_0 : i32 to index
      %swap3A_39 = vector.load %arg6[%swap3A_37, %swap3A_38] : memref<1x4096xf32, #tpu.memory_space<vmem>>, vector<1x512xf32>
      %swap3A_40 = vector.shape_cast %swap3A_39 : vector<1x512xf32> to vector<512xf32>
      %swap3A_41 = vector.shape_cast %reduce_sum3A_36 : vector<512xf32> to vector<1x512xf32>
      tpu.vector_store %arg6[%swap3A_37, %swap3A_38], %swap3A_41 {strides = array<i32>} : memref<1x4096xf32, #tpu.memory_space<vmem>>, vector<1x512xf32>,
    } else {
    }
    %eq3A_3 = arith.constant 0 : i32
    %eq3A_4 = arith.cmpi eq, %arg1, %eq3A_3 : i32
    %convert_element_type3A_5 = arith.extui %eq3A_4 : i1 to i32
    %cond3A_6 = arith.constant 0 : i32
    %cond3A_7 = arith.cmpi ne, %convert_element_type3A_5, %cond3A_6 : i32
    scf.if %cond3A_7 {
      %get3A_29 = arith.constant 0 : index
      %get3A_30 = arith.constant 0 : index
      %get3A_31 = vector.load %arg3[%get3A_29, %get3A_30] : memref<8192x256xf32, #tpu.memory_space<vmem>>, vector<8192x256xf32>
      %mul3A_32 = arith.constant -2.000000e+00 : f32
      %mul3A_33 = vector.broadcast %mul3A_32 : f32 to vector<8192x256xf32>
      %mul3A_34 = arith.mulf %mul3A_33, %get3A_31 : vector<8192x256xf32>
      %convert_element_type3A_35 = arith.truncf %mul3A_34 : vector<8192x256xf32> to vector<8192x256xbf16>
      %swap3A_36 = arith.constant 0 : index
      %swap3A_37 = arith.constant 0 : index
      %swap3A_38 = vector.load %arg9[%swap3A_36, %swap3A_37] : memref<8192x256xbf16, #tpu.memory_space<vmem>>, vector<8192x256xbf16>
      tpu.vector_store %arg9[%swap3A_36, %swap3A_37], %convert_element_type3A_35 {strides = array<i32>} : memref<8192x256xbf16, #tpu.memory_space<vmem>>, vector<8192x256xbf16>,
      %mul3A_39 = arith.mulf %get3A_31, %get3A_31 : vector<8192x256xf32>
      %reduce_sum3A = arith.constant dense<0.000000e+00> : vector<8192xf32>
      %reduce_sum3A_40 = vector.multi_reduction <add>, %mul3A_39, %reduce_sum3A [1] : vector<8192x256xf32> to vector<8192xf32>
      %broadcast_in_dim3A_41 = vector.shape_cast %reduce_sum3A_40 : vector<8192xf32> to vector<8192x1xf32>
      %broadcast_in_dim3A_42 = vector.shape_cast %broadcast_in_dim3A_41 : vector<8192x1xf32> to vector<8192x1xf32>
      %broadcast_in_dim3A_43 = vector.broadcast %broadcast_in_dim3A_42 : vector<8192x1xf32> to vector<8192x512xf32>
      %swap3A_44 = arith.constant 0 : index
      %swap3A_45 = arith.constant 0 : index
      %swap3A_46 = vector.load %arg10[%swap3A_44, %swap3A_45] : memref<8192x512xf32, #tpu.memory_space<vmem>>, vector<8192x512xf32>
      tpu.vector_store %arg10[%swap3A_44, %swap3A_45], %broadcast_in_dim3A_43 {strides = array<i32>} : memref<8192x512xf32, #tpu.memory_space<vmem>>, vector<8192x512xf32>,
    } else {
    }
    %get3A = arith.constant 0 : index
    %get3A_8 = arith.constant 0 : index
    %get3A_9 = vector.load %arg9[%get3A, %get3A_8] : memref<8192x256xbf16, #tpu.memory_space<vmem>>, vector<8192x256xbf16>
    %get3A_10 = arith.index_cast %mul3A_0 : i32 to index
    %get3A_11 = arith.constant 0 : index
    %get3A_12 = vector.load %arg5[%get3A_10, %get3A_11] : memref<4096x256xf32, #tpu.memory_space<vmem>>, vector<512x256xf32>
    %convert_element_type3A_13 = arith.truncf %get3A_12 : vector<512x256xf32> to vector<512x256xbf16>
    %dot_general3A = arith.constant dense<0.000000e+00> : vector<8192x512xf32>
    %dot_general3A_14 = tpu.matmul %get3A_9, %convert_element_type3A_13, %dot_general3A {dimension_numbers = #tpu.dot_dimension_numbers<[1], [1], [0], [0], [0, 0, 1, 0], [], []>, transpose_lhs_hint = false} : vector<8192x256xbf16>, vector<512x256xbf16>, vector<8192x512xf32> -> vector<8192x512xf32>
    %get3A_15 = arith.constant 0 : index
    %get3A_16 = arith.constant 0 : index
    %get3A_17 = vector.load %arg10[%get3A_15, %get3A_16] : memref<8192x512xf32, #tpu.memory_space<vmem>>, vector<8192x512xf32>
    %get3A_18 = arith.constant 0 : index
    %get3A_19 = arith.index_cast %mul3A_0 : i32 to index
    %get3A_20 = vector.load %arg6[%get3A_18, %get3A_19] : memref<1x4096xf32, #tpu.memory_space<vmem>>, vector<1x512xf32>
    %get3A_21 = vector.shape_cast %get3A_20 : vector<1x512xf32> to vector<512xf32>
    %broadcast_in_dim3A = vector.shape_cast %get3A_21 : vector<512xf32> to vector<1x512xf32>
    %add3A = vector.broadcast %broadcast_in_dim3A : vector<1x512xf32> to vector<8192x512xf32>
    %add3A_22 = arith.addf %get3A_17, %add3A : vector<8192x512xf32>
    %add3A_23 = arith.addf %add3A_22, %dot_general3A_14 : vector<8192x512xf32>
    %argmin3A = tpu.reduce_index %add3A_23 {axis = 0 : i32, kind = #tpu.reduction_kind<arg_min>} : vector<8192x512xf32> -> vector<512xi32>
    %swap3A = arith.constant 0 : index
    %swap3A_24 = arith.constant 0 : index
    %swap3A_25 = arith.constant 0 : index
    %swap3A_26 = vector.load %arg4[%swap3A, %swap3A_24, %swap3A_25] : memref<1x1x512xi32, #tpu.memory_space<vmem>>, vector<1x1x512xi32>
    %swap3A_27 = vector.shape_cast %swap3A_26 : vector<1x1x512xi32> to vector<512xi32>
    %swap3A_28 = vector.shape_cast %argmin3A : vector<512xi32> to vector<1x1x512xi32>
    tpu.vector_store %arg4[%swap3A, %swap3A_24, %swap3A_25], %swap3A_28 {strides = array<i32>} : memref<1x1x512xi32, #tpu.memory_space<vmem>>, vector<1x1x512xi32>,
    return
  }
  func.func @transform_0(%arg0: i32, %arg1: i32) -> (i32, i32) {
    %eq3A = arith.constant 0 : i32
    %eq3A_0 = arith.cmpi eq, %arg0, %eq3A : i32
    %jit3A = arith.constant 0 : i32
    %select_n3A = arith.select %eq3A_0, %arg1, %jit3A : i32
    %c0_i32 = arith.constant 0 : i32
    %c0_i32_1 = arith.constant 0 : i32
    return %select_n3A, %c0_i32 : i32, i32
  }
  func.func @transform_1(%arg0: i32, %arg1: i32) -> (i32, i32) {
    %c0_i32 = arith.constant 0 : i32
    %c0_i32_0 = arith.constant 0 : i32
    return %arg0, %c0_i32 : i32, i32
  }
  func.func @transform_2(%arg0: i32, %arg1: i32) -> (i32, i32, i32) {
    %c0_i32 = arith.constant 0 : i32
    %c0_i32_0 = arith.constant 0 : i32
    %c0_i32_1 = arith.constant 0 : i32
    return %arg1, %c0_i32, %c0_i32_0 : i32, i32, i32
  }
}

module attributes {stable_mosaic.version = 14 : i64} {
  func.func @_combine_body(%arg0: i32, %arg1: memref<512x256xf32, #tpu.memory_space<vmem>>, %arg2: memref<512x256xf32, #tpu.memory_space<vmem>>, %arg3: memref<512x256xf32, #tpu.memory_space<vmem>>, %arg4: memref<512x256xf32, #tpu.memory_space<vmem>>) attributes {dimension_semantics = [#tpu.dimension_semantics<arbitrary>], iteration_bounds = array<i64: 8>, scalar_prefetch = 0 : i64, scratch_operands = 0 : i64, tpu.core_type = #tpu.core_type<tc>, window_params = [{transform_indices = @transform_0, window_bounds = array<i64: 512, 256>}, {transform_indices = @transform_1, window_bounds = array<i64: 512, 256>}, {transform_indices = @transform_2, window_bounds = array<i64: 512, 256>}, {transform_indices = @transform_3, window_bounds = array<i64: 512, 256>}]} {
    %get3A = arith.constant 0 : index
    %get3A_0 = arith.constant 0 : index
    %get3A_1 = vector.load %arg1[%get3A, %get3A_0] : memref<512x256xf32, #tpu.memory_space<vmem>>, vector<512x256xf32>
    %get3A_2 = arith.constant 0 : index
    %get3A_3 = arith.constant 0 : index
    %get3A_4 = vector.load %arg2[%get3A_2, %get3A_3] : memref<512x256xf32, #tpu.memory_space<vmem>>, vector<512x256xf32>
    %add3A = arith.addf %get3A_1, %get3A_4 : vector<512x256xf32>
    %get3A_5 = arith.constant 0 : index
    %get3A_6 = arith.constant 0 : index
    %get3A_7 = vector.load %arg3[%get3A_5, %get3A_6] : memref<512x256xf32, #tpu.memory_space<vmem>>, vector<512x256xf32>
    %add3A_8 = arith.addf %add3A, %get3A_7 : vector<512x256xf32>
    %swap3A = arith.constant 0 : index
    %swap3A_9 = arith.constant 0 : index
    %swap3A_10 = vector.load %arg4[%swap3A, %swap3A_9] : memref<512x256xf32, #tpu.memory_space<vmem>>, vector<512x256xf32>
    tpu.vector_store %arg4[%swap3A, %swap3A_9], %add3A_8 {strides = array<i32>} : memref<512x256xf32, #tpu.memory_space<vmem>>, vector<512x256xf32>,
    return
  }
  func.func @transform_0(%arg0: i32) -> (i32, i32) {
    %c0_i32 = arith.constant 0 : i32
    %c0_i32_0 = arith.constant 0 : i32
    return %arg0, %c0_i32 : i32, i32
  }
  func.func @transform_1(%arg0: i32) -> (i32, i32) {
    %c0_i32 = arith.constant 0 : i32
    %c0_i32_0 = arith.constant 0 : i32
    return %arg0, %c0_i32 : i32, i32
  }
  func.func @transform_2(%arg0: i32) -> (i32, i32) {
    %c0_i32 = arith.constant 0 : i32
    %c0_i32_0 = arith.constant 0 : i32
    return %arg0, %c0_i32 : i32, i32
  }
  func.func @transform_3(%arg0: i32) -> (i32, i32) {
    %c0_i32 = arith.constant 0 : i32
    %c0_i32_0 = arith.constant 0 : i32
    return %arg0, %c0_i32 : i32, i32
  }
}

</mosaic_0001>

<sc_bundles>
// kernel: kernel.12.cloned.1.call-start
scs
__scs_entry_jumppad:
0x0: {  	(pc) =	sbr.rel $0x88, $3  }
0x1: {  	(tag) =	ssettag $0x0;
	lr =	simm.s32 $0x1  }
0x2: {  	[smem:$0x3F9D] =	sst lr;
	_ =	strace $0xD0000000  }
0x3: {  	_ = 	snop  }
0x4: {  	_ = 	snop  }
0x5: {  	_ = 	snop  }
0x6: {  	_ = 	snop  }
0x7: {  	_ = 	snop  }
__scs_overlays_trampoline_lowered:
0x8: {  	[smem:$0x3FAC] =	sst s0  }
0x9: {  	[smem:$0x3FAD] =	sst s1  }
0xa: {  	[smem:$0x3FAE] =	sst s2  }
0xb: {  	[smem:$0x3FAF] =	sst s3  }
0xc: {  	[smem:$0x3FB0] =	sst s4  }
0xd: {  	[smem:$0x3FB1] =	sst s5  }
0xe: {  	[smem:$0x3FB2] =	sst s6  }
0xf: {  	[smem:$0x3FB3] =	sst s7  }
0x10: {  	[smem:$0x3FB4] =	sst s8  }
0x11: {  	[smem:$0x3FB5] =	sst s9;
	s0 =	simm.s32 @!p0 $0x0  }
0x12: {  	s1 =	sld [smem:$0x3F9B];
	s0 =	simm.s32 @p0 $0x1  }
0x13: {  	[smem:$0x3FB6] =	sst s0;
	s0 =	simm.s32 @!p1 $0x0  }
0x14: {  	s2 =	sld [smem:$0x3F9A];
	s0 =	simm.s32 @p1 $0x1  }
0x15: {  	[smem:$0x3FB7] =	sst s0;
	s0 =	simm.s32 @!p2 $0x0  }
0x16: {  	s3 =	sld [smem:$0x3FDB];
	s0 =	simm.s32 @p2 $0x1  }
0x17: {  	s4 =	simm.s32 $0x1BF5;
	[smem:$0x3FB9] =	sst s0  }
0x18: {  	s0 =	sld [smem:$0x3F9C];
	_ =	swait.ge [sflag:s4], $0x0  }
0x19: {  	s7 =	sld [smem:$0x3F9D]  }
0x1a: {  	s8 =	sadd.s32 $0xFFFFE003, lr  }
0x1b: {  	s9 =	sadd.s32 $0xFFFFFEF7, lr;
	s5 =	simm.s32 $0xFFFFFFFF;
	p2 =	slt.u32 s8, $0xFFFFF086  }
0x1c: {  	p1 =	slt.u32 s9, $0xF7A;
	s5 =	simm.s32 @!p2 $0x0  }
0x1d: {  	s5 =	simm.s32 @p1 $0x1;
	p0 =	seq.s32 s7, s2  }
0x1e: {  	s7 =	smul.u32 @!p0 $0xF7A, s2;
	p2 =	seq.s32 @!p0 s5, $0x0  }
0x1f: {  	s9 =	smul.u32 $0xF7A, s1;
	s8 =	simm.s32 @!p0 $0x1BF5;
	p2 =	por !p2, p0  }
0x20: {  	[sflag:s8] =	ssyncset.s32 @!p0 $0xFFFFF086;
	s6 =	sadd.s32 @!p0 s3, s7;
	s7 =	simm.s32 @!p0 $0x108  }
0x21: {  	s3 =	sadd.s32 s3, s9;
	s6 =	sadd.s32 @!p0 $0x88, s6;
	s7 =	simm.s32 @p2 $0x1082  }
0x22: {  	[simem:s7], [sflag:s8] =	dma.local @!p0 [hbm:s6], $0xF7A  }
0x23: {  	s9 =	sor.u32 $0xD0000000, s2;
	s6 =	simm.s32 $0x108;
	_ =	swait.ge @!p0 [sflag:s8], $0x0  }
0x24: {  	s3 =	sadd.s32 $0x88, s3;
	s6 =	simm.s32 @!p1 $0x1082;
	[sflag:s4] =	ssyncset.s32 $0xFFFFF086  }
0x25: {  	[simem:s6], [sflag:s4] =	dma.local [hbm:s3], $0xF7A  }
0x26: {  	[smem:$0x3F9D] =	sst s1;
	(tag) =	ssettag s2;
	_ =	strace s9  }
0x27: {  	s1 =	sld [smem:$0x3FAD]  }
0x28: {  	s2 =	sld [smem:$0x3FAE]  }
0x29: {  	s4 =	sld [smem:$0x3FB0]  }
0x2a: {  	p0 =	seq.s32 s5, $0x0;
	s5 =	sld [smem:$0x3FB1]  }
0x2b: {  	s6 =	sld [smem:$0x3FB2]  }
0x2c: {  	s7 =	sld [smem:$0x3FB3]  }
0x2d: {  	s3 =	simm.s32 $0x108;
	s8 =	sld [smem:$0x3FB4]  }
0x2e: {  	s3 =	simm.s32 @!p0 $0x1082;
	s9 =	sld [smem:$0x3FB5]  }
0x2f: {  	lr =	sadd.s32 s0, s3;
	s0 =	sld [smem:$0x3FAC]  }
0x30: {  	s3 =	sld [smem:$0x3FAF]  }
0x31: {  	[smem:$0x3FB8] =	sst s10  }
0x32: {  	s10 =	sld [smem:$0x3FB6];
	_ =	sdelay $0x3  }
0x33: {  	p0 =	seq.s32 s10, $0x1;
	s10 =	sld [smem:$0x3FB8];
	_ =	sdelay $0x3  }
0x34: {  	[smem:$0x3FB8] =	sst s10  }
0x35: {  	s10 =	sld [smem:$0x3FB7];
	_ =	sdelay $0x3  }
0x36: {  	p1 =	seq.s32 s10, $0x1;
	s10 =	sld [smem:$0x3FB8];
	_ =	sdelay $0x3  }
0x37: {  	[smem:$0x3FB8] =	sst s10  }
0x38: {  	s10 =	sld [smem:$0x3FB9]  }
0x39: {  	_ = 	snop;
	(pc) =	sbr.ind lr, $3  }
0x3a: {  	_ = 	snop  }
0x3b: {  	_ = 	snop  }
0x3c: {  	p2 =	seq.s32 s10, $0x1;
	s10 =	sld [smem:$0x3FB8]  }
0x3d: {  	_ =	shalt  }
0x3e: {  	_ =	shalt  }
0x3f: {  	_ =	shalt  }
0x40: {  	_ =	shalt  }
0x41: {  	_ =	shalt  }
0x42: {  	_ =	shalt  }
0x43: {  	_ =	shalt  }
0x44: {  	_ =	shalt  }
0x45: {  	_ =	shalt  }
0x46: {  	_ =	shalt  }
0x47: {  	_ =	shalt  }
0x48: {  	_ =	shalt  }
0x49: {  	_ =	shalt  }
0x4a: {  	_ =	shalt  }
0x4b: {  	_ =	shalt  }
0x4c: {  	_ =	shalt  }
0x4d: {  	_ =	shalt  }
0x4e: {  	_ =	shalt  }
0x4f: {  	_ =	shalt  }
0x50: {  	_ =	shalt  }
0x51: {  	_ =	shalt  }
0x52: {  	_ =	shalt  }
0x53: {  	_ =	shalt  }
0x54: {  	_ =	shalt  }
0x55: {  	_ =	shalt  }
0x56: {  	_ =	shalt  }
0x57: {  	_ =	shalt  }
0x58: {  	_ =	shalt  }
0x59: {  	_ =	shalt  }
0x5a: {  	_ =	shalt  }
0x5b: {  	_ =	shalt  }
0x5c: {  	_ =	shalt  }
0x5d: {  	_ =	shalt  }
0x5e: {  	_ =	shalt  }
0x5f: {  	_ =	shalt  }
0x60: {  	_ =	shalt  }
0x61: {  	_ =	shalt  }
0x62: {  	_ =	shalt  }
0x63: {  	_ =	shalt  }
0x64: {  	_ =	shalt  }
0x65: {  	_ =	shalt  }
0x66: {  	_ =	shalt  }
0x67: {  	_ =	shalt  }
0x68: {  	_ =	shalt  }
0x69: {  	_ =	shalt  }
0x6a: {  	_ =	shalt  }
0x6b: {  	_ =	shalt  }
0x6c: {  	_ =	shalt  }
0x6d: {  	_ =	shalt  }
0x6e: {  	_ =	shalt  }
0x6f: {  	_ =	shalt  }
0x70: {  	_ =	shalt  }
0x71: {  	_ =	shalt  }
0x72: {  	_ =	shalt  }
0x73: {  	_ =	shalt  }
0x74: {  	_ =	shalt  }
0x75: {  	_ =	shalt  }
0x76: {  	_ =	shalt  }
0x77: {  	_ =	shalt  }
0x78: {  	_ =	shalt  }
0x79: {  	_ =	shalt  }
0x7a: {  	_ =	shalt  }
0x7b: {  	_ =	shalt  }
0x7c: {  	_ =	shalt  }
0x7d: {  	_ =	shalt  }
0x7e: {  	_ =	shalt  }
0x7f: {  	_ =	shalt  }
0x80: {  	_ =	shalt  }
0x81: {  	_ =	shalt  }
0x82: {  	_ =	shalt  }
0x83: {  	_ =	shalt  }
0x84: {  	_ =	shalt  }
0x85: {  	_ =	shalt  }
0x86: {  	_ =	shalt  }
0x87: {  	_ =	shalt  }
.Lfunc_end0:
.L_simem_size_0:
called_computation.1_lowered:
.L_overlay_start_0:
0x88: {  	s2 =	sld [smem:$0x3FD9]  }
0x89: {  	s3 =	sld [smem:$0x3FFE];
	_ =	sdelay $0x1  }
0x8a: {  	s1 =	srdreg.scid  }
0x8b: {  	s0 =	sand.u32 $0x1, s1  }
0x8c: {  	s14 =	sshll.u32 s0, $0xA;
	s2 =	sadd.s32 s3, s2  }
0x8d: {  	s2 =	sadd.s32 s2, s14  }
0x8e: {  	[smem:$0x3FC4] =	sst s2  }
0x8f: {  	_ = 	snop  }
0x90: {  	s2 =	sld [smem:$0x3FD0];
	_ =	sdelay $0x2  }
0x91: {  	s4 =	simm.s32 $0xA;
	s5 =	simm.s32 $0x10;
	s15 =	sld [smem:$0x3FC7]  }
0x92: {  	[smem:s5], [sflag:s4] =	dma.local [hbm:s2], $0x1  }
0x93: {  	_ =	swait.eq [sflag:s4], $0x1  }
0x94: {  	[sflag:s4] =	ssyncset.done $0x0  }
0x95: {  	[sflag:s4] =	ssyncadd.s32 $0xFFFFFFFF  }
0x96: {  	s16 =	sld [smem:$0x10];
	(tm) =	ssettm $0x1  }
0x97: {  	s17 =	sld [smem:$0x3FFB];
	_ =	sdelay $0x3  }
0x98: {  	_ =	strace s17  }
0x99: {  	s4 =	sld [smem:$0x3FFC];
	_ =	sdelay $0x3  }
0x9a: {  	_ =	strace s4  }
0x9b: {  	s4 =	sld [smem:$0x3FFD];
	_ =	sdelay $0x3  }
0x9c: {  	_ =	strace s4  }
0x9d: {  	_ =	strace $0x8FFFFFFF  }
0x9e: {  	s18 =	sld [smem:$0x3FDB];
	_ =	sdelay $0x1  }
0x9f: {  	s19 =	simm.s32 $_scs_section_size  }
0xa0: {  	s6 =	simm.s32 $_size__tile_overlayer_lowered;
	s7 =	simm.s32 $_tile_overlayer_lowered  }
0xa1: {  	s22 =	simm.s32 $0x1BFF;
	s21 =	sshll.u32 s7, $0x1;
	s4 =	sadd.s32 s19, s18  }
0xa2: {  	s8 =	simm.s32 $0x0;
	s20 =	sshll.u32 s6, $0x1;
	s6 =	sadd.s32 s21, s4  }
0xa3: {  	[timem:s8], [sflag:s22] =	dma.local [hbm:s6], s20  }
0xa4: {  	_ =	swait.ge [sflag:s22], s20  }
0xa5: {  	s5 =	ssub.s32 $0x0, s20;
	[sflag:s22] =	ssyncset.done $0x0  }
0xa6: {  	[sflag:s22] =	ssyncadd.s32 s5;
	_ =	sdelay $0x1  }
0xa7: {  	s23 =	simm.s32 $0x1B8B  }
0xa8: {  	_ =	swait.ge [sflag:s23], $0x1  }
0xa9: {  	[sflag:s23] =	ssyncset.done $0x0  }
0xaa: {  	s25 =	simm.s32 $0x1B8E;
	s24 =	sld [smem:$0x3FFE];
	[sflag:s23] =	ssyncadd.s32 $0xFFFFFFFF  }
0xab: {  	s26 =	simm.s32 $execute0_lowered;
	[smem:$0x3FD2] =	sst s25  }
0xac: {  	s6 =	sshll.u32 s26, $0x1;
	_ =	strace $0x80000049;
	[dreg:$0x1] =	wrdreg $0xFFFFFFFF  }
0xad: {  	s28 =	simm.s32 $_size_execute0_lowered;
	s4 =	sadd.s32 s4, s6;
	[dreg:$0x0] =	wrdreg $0x0  }
0xae: {  	s6 =	sshll.u32 s28, $0x1;
	[dreg:$0x2] =	wrdreg s4  }
0xaf: {  	[dreg:$0x3] =	wrdreg s6  }
0xb0: {  	[dreg:$0x4] =	wrdreg $0xC0  }
0xb1: {  	_ =	task [dreg:s8], $0x5FFFF  }
0xb2: {  	[dreg:$0x1] =	wrdreg $0xFFFFFFFF  }
0xb3: {  	[dreg:$0x0] =	wrdreg $0x60  }
0xb4: {  	[dreg:$0x2] =	wrdreg s15  }
0xb5: {  	[dreg:$0x3] =	wrdreg s24  }
0xb6: {  	[dreg:$0x4] =	wrdreg s16  }
0xb7: {  	[dreg:$0x5] =	wrdreg $0x9  }
0xb8: {  	_ =	task.clear_ibuf [dreg:s8], $0x6FFFF;
	_ =	strace $0x90000049  }
0xb9: {  	s29 =	simm.s32 $0x9;
	_ =	strace $0x8000004B  }
0xba: {  	_ =	swait.ge [sflag:s29], $0x1  }
0xbb: {  	[sflag:s29] =	ssyncadd.s32 $0xFFFFFFFF  }
0xbc: {  	_ =	strace $0x9000004B  }
0xbd: {  	_ =	sfence  }
0xbe: {  	s30 =	sld [smem:$0x0];
	_ =	sdelay $0x2  }
0xbf: {  	s31 =	sshll.u32 s1, $0xD;
	s1 =	sshrl.u32 s1, $0x2  }
0xc0: {  	s3 =	sand.u32 $0x4000, s31;
	s1 =	sadd.s32 s1, s30  }
0xc1: {  	s0 =	sor.u32 s3, s0;
	s1 =	sshll.u32 s1, $0x11  }
0xc2: {  	s0 =	sor.u32 s1, s0  }
0xc3: {  	s0 =	sadd.s32 $0x8F2B, s0  }
0xc4: {  	[sflag:s0] =	ssyncadd.remote.s32 $0x1  }
0xc5: {  	_ =	sfence.sel $0xFFFF  }
0xc6: {  	[dreg:$0x0] =	wrdreg $0xFFFFFFFF;
	(pc) =	sbr.abs _section_cstart, $3  }
0xc7: {  	[dreg:$0x1] =	wrdreg $0xFFFFFFFF  }
0xc8: {  	_ =	task.clear_ibuf [dreg:s8], $0x2FFFF;
	_ =	strace $0x9FFFFFFF  }
0xc9: {  	(tm) =	ssettm $0x7FFFFFFF  }
tec
execute0_lowered:
.L_overlay_start_1:
0x0: {  	(tag) =	ssettag $0x1  }
0x1: {  	s1 =	rddreg [dreg:$0x0]  }
0x2: {  	s4 =	rddreg [dreg:$0x1]  }
0x3: {  	s5 =	rddreg [dreg:$0x2];
	s3 =	srdreg.scid  }
0x4: {  	s0 =	rddreg [dreg:$0x3];
	s2 =	stileid.u32;
	s10 =	simm.s32 $0x1080  }
0x5: {  	s11 =	simm.s32 $0x1880;
	s12 =	simm.s32 $0x2080;
	s13 =	simm.s32 $0x2880  }
0x6: {  	s14 =	simm.s32 $0x3080;
	s15 =	simm.s32 $0x3880;
	s16 =	simm.s32 $0x4080  }
0x7: {  	s17 =	simm.s32 $0x4880;
	s18 =	simm.s32 $0x5080;
	s19 =	simm.s32 $0x5880  }
0x8: {  	s20 =	simm.s32 $0x6080;
	s21 =	simm.s32 $0x6880;
	s22 =	simm.s32 $0x7080  }
0x9: {  	s23 =	simm.s32 $0x7880;
	s24 =	simm.s32 $0x1;
	s6 =	sand.u32 $0x1, s3  }
0xa: {  	s3 =	simm.s32 $0x0;
	s7 =	sshll.u32 s2, $0x8;
	s8 =	sshll.u32 s6, $0x7  }
0xb: {  	[smem:$0x7FF] =	sst s3;
	s6 =	ssub.s32 $0x2, s6;
	s7 =	sor.u32 s8, s7  }
0xc: {  	_ =	strace $0x8000004A;
	s9 =	sshrl.u32 s6, $0x1;
	s8 =	sshrl.u32 s7, $0x3  }
0xd: {  	v2 =	vlaneseq.u32;
	s6 =	ssub.s32 s6, s9;
	s7 =	sshll.u32 s7, $0x5;
	s9 =	simm.s32 $0x880  }
0xe: {  	vm0 =	vmmov $0xffff;
	v1 =	vshrl.u32 v2, $0x3;
	s4 =	sadd.s32 s8, s4;
	s5 =	sadd.s32 s5, s7;
	s6 =	smax.u32 s6, $0x1  }
0xf: {  	v0 =	vand.u32 $0x7, v2;
	v2 =	vor.u32 $0x8, v2;
	v1 =	vmul.u32 $0x8, v1;
	s7 =	simm.s32 $0x2;
	s8 =	simm.s32 $0x80;
	s4 =	sadd.s32 $0x3000, s4  }
.LBB2_1:
0x10: {  	[tilespmem:s3], [sflag:$0x2] =	stream.linear.gather [hbm4b:s4+s3], $0x80, $0x38;
	[tilespmem:$0x8080] =	vst v63  }
0x11: {  	_ =	swait.ge [sflag:s7], $0x80  }
0x12: {  	[sflag:s7] =	ssyncset.done $0x0  }
0x13: {  	[sflag:s7] =	ssyncadd.s32 $0xFFFFFF80  }
0x14: {  	v3 =	vld [tilespmem:$0x0];
	_ =	sdelay $0x4  }
0x15: {  	v4 =	vshll.u32 v3, $0x1  }
0x16: {  	v3 =	vand.u32 $0x7, v3;
	v4 =	vand.u32 $0xFFFFFFF0, v4  }
0x17: {  	v3 =	vor.u32 v3, v4  }
0x18: {  	v4 =	vperm.xlane v3, v0;
	_ =	sdelay $0x1  }
0x19: {  	v3 =	vperm.xlane v3, v2;
	v4 =	vadd.s32 v1, v4;
	_ =	sdelay $0x1  }
0x1a: {  	v3 =	vadd.s32 v1, v3;
	_ =	sdelay $0x2  }
0x1b: {  	[tilespmem:s8], [sflag:$0x1] =	stream.indirect_vreg.gather [hbm4b:s1+s3], $0x80, v4, vm0, $0xb8;
	[tilespmem:$0x8080] =	vst v63  }
0x1c: {  	_ = 	snop  }
0x1d: {  	[tilespmem:s9], [sflag:$0x1] =	stream.indirect_vreg.gather [hbm4b:s1+s3], $0x80, v3, vm0, $0xb8;
	[tilespmem:$0x8080] =	vst v63  }
0x1e: {  	v3 =	vld [tilespmem:$0x10];
	_ =	sdelay $0x4  }
0x1f: {  	v57 =	vshll.u32 v3, $0x1  }
0x20: {  	v3 =	vand.u32 $0x7, v3;
	v4 =	vand.u32 $0xFFFFFFF0, v57  }
0x21: {  	v3 =	vor.u32 v3, v4  }
0x22: {  	v4 =	vperm.xlane v3, v0;
	_ =	sdelay $0x1  }
0x23: {  	v3 =	vperm.xlane v3, v2;
	v4 =	vadd.s32 v1, v4;
	_ =	sdelay $0x1  }
0x24: {  	v3 =	vadd.s32 v1, v3;
	_ =	sdelay $0x2  }
0x25: {  	[tilespmem:s10], [sflag:$0x1] =	stream.indirect_vreg.gather [hbm4b:s1+s3], $0x80, v4, vm0, $0xb8;
	[tilespmem:$0x8080] =	vst v63  }
0x26: {  	_ = 	snop  }
0x27: {  	[tilespmem:s11], [sflag:$0x1] =	stream.indirect_vreg.gather [hbm4b:s1+s3], $0x80, v3, vm0, $0xb8;
	[tilespmem:$0x8080] =	vst v63  }
0x28: {  	v3 =	vld [tilespmem:$0x20];
	_ =	sdelay $0x4  }
0x29: {  	v58 =	vshll.u32 v3, $0x1  }
0x2a: {  	v3 =	vand.u32 $0x7, v3;
	v4 =	vand.u32 $0xFFFFFFF0, v58  }
0x2b: {  	v3 =	vor.u32 v3, v4  }
0x2c: {  	v4 =	vperm.xlane v3, v0;
	_ =	sdelay $0x1  }
0x2d: {  	v3 =	vperm.xlane v3, v2;
	v4 =	vadd.s32 v1, v4;
	_ =	sdelay $0x1  }
0x2e: {  	v3 =	vadd.s32 v1, v3;
	_ =	sdelay $0x2  }
0x2f: {  	[tilespmem:s12], [sflag:$0x1] =	stream.indirect_vreg.gather [hbm4b:s1+s3], $0x80, v4, vm0, $0xb8;
	[tilespmem:$0x8080] =	vst v63  }
0x30: {  	_ = 	snop  }
0x31: {  	[tilespmem:s13], [sflag:$0x1] =	stream.indirect_vreg.gather [hbm4b:s1+s3], $0x80, v3, vm0, $0xb8;
	[tilespmem:$0x8080] =	vst v63  }
0x32: {  	v3 =	vld [tilespmem:$0x30];
	_ =	sdelay $0x4  }
0x33: {  	v59 =	vshll.u32 v3, $0x1  }
0x34: {  	v3 =	vand.u32 $0x7, v3;
	v4 =	vand.u32 $0xFFFFFFF0, v59  }
0x35: {  	v3 =	vor.u32 v3, v4  }
0x36: {  	v4 =	vperm.xlane v3, v0;
	_ =	sdelay $0x1  }
0x37: {  	v3 =	vperm.xlane v3, v2;
	v4 =	vadd.s32 v1, v4;
	_ =	sdelay $0x1  }
0x38: {  	v3 =	vadd.s32 v1, v3;
	_ =	sdelay $0x2  }
0x39: {  	[tilespmem:s14], [sflag:$0x1] =	stream.indirect_vreg.gather [hbm4b:s1+s3], $0x80, v4, vm0, $0xb8;
	[tilespmem:$0x8080] =	vst v63  }
0x3a: {  	_ = 	snop  }
0x3b: {  	[tilespmem:s15], [sflag:$0x1] =	stream.indirect_vreg.gather [hbm4b:s1+s3], $0x80, v3, vm0, $0xb8;
	[tilespmem:$0x8080] =	vst v63  }
0x3c: {  	v3 =	vld [tilespmem:$0x40];
	_ =	sdelay $0x4  }
0x3d: {  	v60 =	vshll.u32 v3, $0x1  }
0x3e: {  	v3 =	vand.u32 $0x7, v3;
	v4 =	vand.u32 $0xFFFFFFF0, v60  }
0x3f: {  	v3 =	vor.u32 v3, v4  }
0x40: {  	v4 =	vperm.xlane v3, v0;
	_ =	sdelay $0x1  }
0x41: {  	v3 =	vperm.xlane v3, v2;
	v4 =	vadd.s32 v1, v4;
	_ =	sdelay $0x1  }
0x42: {  	v3 =	vadd.s32 v1, v3;
	_ =	sdelay $0x2  }
0x43: {  	[tilespmem:s16], [sflag:$0x1] =	stream.indirect_vreg.gather [hbm4b:s1+s3], $0x80, v4, vm0, $0xb8;
	[tilespmem:$0x8080] =	vst v63  }
0x44: {  	_ = 	snop  }
0x45: {  	[tilespmem:s17], [sflag:$0x1] =	stream.indirect_vreg.gather [hbm4b:s1+s3], $0x80, v3, vm0, $0xb8;
	[tilespmem:$0x8080] =	vst v63  }
0x46: {  	v3 =	vld [tilespmem:$0x50];
	_ =	sdelay $0x4  }
0x47: {  	v61 =	vshll.u32 v3, $0x1  }
0x48: {  	v3 =	vand.u32 $0x7, v3;
	v4 =	vand.u32 $0xFFFFFFF0, v61  }
0x49: {  	v3 =	vor.u32 v3, v4  }
0x4a: {  	v4 =	vperm.xlane v3, v0;
	_ =	sdelay $0x1  }
0x4b: {  	v3 =	vperm.xlane v3, v2;
	v4 =	vadd.s32 v1, v4;
	_ =	sdelay $0x1  }
0x4c: {  	v3 =	vadd.s32 v1, v3;
	_ =	sdelay $0x2  }
0x4d: {  	[tilespmem:s18], [sflag:$0x1] =	stream.indirect_vreg.gather [hbm4b:s1+s3], $0x80, v4, vm0, $0xb8;
	[tilespmem:$0x8080] =	vst v63  }
0x4e: {  	_ = 	snop  }
0x4f: {  	[tilespmem:s19], [sflag:$0x1] =	stream.indirect_vreg.gather [hbm4b:s1+s3], $0x80, v3, vm0, $0xb8;
	[tilespmem:$0x8080] =	vst v63  }
0x50: {  	v3 =	vld [tilespmem:$0x60];
	_ =	sdelay $0x4  }
0x51: {  	v62 =	vshll.u32 v3, $0x1  }
0x52: {  	v3 =	vand.u32 $0x7, v3;
	v4 =	vand.u32 $0xFFFFFFF0, v62  }
0x53: {  	v3 =	vor.u32 v3, v4  }
0x54: {  	v4 =	vperm.xlane v3, v0;
	_ =	sdelay $0x1  }
0x55: {  	v3 =	vperm.xlane v3, v2;
	v4 =	vadd.s32 v1, v4;
	_ =	sdelay $0x1  }
0x56: {  	v3 =	vadd.s32 v1, v3;
	_ =	sdelay $0x2  }
0x57: {  	[tilespmem:s20], [sflag:$0x1] =	stream.indirect_vreg.gather [hbm4b:s1+s3], $0x80, v4, vm0, $0xb8;
	[tilespmem:$0x8080] =	vst v63  }
0x58: {  	_ = 	snop  }
0x59: {  	[tilespmem:s21], [sflag:$0x1] =	stream.indirect_vreg.gather [hbm4b:s1+s3], $0x80, v3, vm0, $0xb8;
	[tilespmem:$0x8080] =	vst v63  }
0x5a: {  	v3 =	vld [tilespmem:$0x70];
	_ =	sdelay $0x4  }
0x5b: {  	v63 =	vshll.u32 v3, $0x1  }
0x5c: {  	v3 =	vand.u32 $0x7, v3;
	v4 =	vand.u32 $0xFFFFFFF0, v63  }
0x5d: {  	v3 =	vor.u32 v3, v4  }
0x5e: {  	v4 =	vperm.xlane v3, v0;
	_ =	sdelay $0x1  }
0x5f: {  	v3 =	vperm.xlane v3, v2;
	v4 =	vadd.s32 v1, v4;
	_ =	sdelay $0x1  }
0x60: {  	v3 =	vadd.s32 v1, v3;
	_ =	sdelay $0x2  }
0x61: {  	[tilespmem:s22], [sflag:$0x1] =	stream.indirect_vreg.gather [hbm4b:s1+s3], $0x80, v4, vm0, $0xb8;
	[tilespmem:$0x8080] =	vst v63  }
0x62: {  	_ = 	snop  }
0x63: {  	[tilespmem:s23], [sflag:$0x1] =	stream.indirect_vreg.gather [hbm4b:s1+s3], $0x80, v3, vm0, $0xb8;
	[tilespmem:$0x8080] =	vst v63  }
0x64: {  	_ =	swait.ge [sflag:s24], $0x8000  }
0x65: {  	p0 =	sne.s32 s6, $0x1;
	[sflag:s24] =	ssyncset.done $0x0  }
.Ltmp0:
0x66: {  	[sflag:s24] =	ssyncadd.s32 $0xFFFF8000;
	(pc) =	sbr.rel @p0 .LBB2_1-.Ltmp0, $4  }
0x67: {  	[hbm4b:s5+s3] =	stream.linear.scatter [tilespmem:s8], [sflag:$0x2], $0x8000, $0x38;
	[tilespmem:$0x8080] =	vst v63  }
0x68: {  	_ =	swait.ge [sflag:s7], $0x8000  }
0x69: {  	[sflag:s7] =	ssyncset.done $0x0  }
0x6a: {  	s6 =	sadd.s32 $0xFFFFFFFF, s6;
	[sflag:s7] =	ssyncadd.s32 $0xFFFF8000  }
0x6b: {  	_ =	sfence.sel $0x180000  }
0x6c: {  	[bflag:$0x0] =	sbarrier.arrive $0xFFFF  }
0x6d: {  	p0 =	sne.s32 s2, $0x0;
	_ =	strace $0x9000004A  }
0x6e: {  	s0 =	sadd.s32 @!p0 $0x100000, s0;
	[bflag:$0x2] =	sbarrier.arrive $0xFFFF  }
0x6f: {  	[sflag:s0] =	ssyncadd.tile.s32 @!p0 $0x1;
	_ =	shalt  }
.Lfunc_end2:
_tile_overlayer_lowered:
.L_overlay_start_2:
0x70: {  	(tag) =	ssettag $0x2  }
0x71: {  	s0 =	rddreg [dreg:$0x0];
	s2 =	stileid.u32  }
0x72: {  	s1 =	rddreg [dreg:$0x1];
	p0 =	sne.s32 s2, $0x0  }
0x73: {  	s3 =	rddreg [dreg:$0x2];
	[bflag:$0x3] =	sbarrier.arrive $0xFFFF;
	s2 =	simm.s32 @!p0 $0x1C02  }
0x74: {  	[timem:s3], [sflag:s2] =	dma.local @!p0 [hbm:s0], s1  }
0x75: {  	s0 =	simm.s32 @!p0 $0x2  }
0x76: {  	_ =	swait.ge @!p0 [sflag:s0], s1  }
0x77: {  	s1 =	ssub.s32 @!p0 $0x0, s1;
	[sflag:s0] =	ssyncset.done @!p0 $0x0  }
0x78: {  	[sflag:s0] =	ssyncadd.s32 @!p0 s1  }
0x79: {  	[bflag:$0x3] =	sbarrier.arrive $0xFFFF  }
0x7a: {  	_ =	shalt  }

// kernel: kernel.15.cloned.1.call-start
scs
__scs_entry_jumppad:
0x0: {  	(pc) =	sbr.rel $0x88, $3  }
0x1: {  	(tag) =	ssettag $0x0;
	lr =	simm.s32 $0x1  }
0x2: {  	[smem:$0x3F9D] =	sst lr;
	_ =	strace $0xD0000000  }
0x3: {  	_ = 	snop  }
0x4: {  	_ = 	snop  }
0x5: {  	_ = 	snop  }
0x6: {  	_ = 	snop  }
0x7: {  	_ = 	snop  }
__scs_overlays_trampoline_lowered:
0x8: {  	[smem:$0x3FAC] =	sst s0  }
0x9: {  	[smem:$0x3FAD] =	sst s1  }
0xa: {  	[smem:$0x3FAE] =	sst s2  }
0xb: {  	[smem:$0x3FAF] =	sst s3  }
0xc: {  	[smem:$0x3FB0] =	sst s4  }
0xd: {  	[smem:$0x3FB1] =	sst s5  }
0xe: {  	[smem:$0x3FB2] =	sst s6  }
0xf: {  	[smem:$0x3FB3] =	sst s7  }
0x10: {  	[smem:$0x3FB4] =	sst s8  }
0x11: {  	[smem:$0x3FB5] =	sst s9;
	s0 =	simm.s32 @!p0 $0x0  }
0x12: {  	s1 =	sld [smem:$0x3F9B];
	s0 =	simm.s32 @p0 $0x1  }
0x13: {  	[smem:$0x3FB6] =	sst s0;
	s0 =	simm.s32 @!p1 $0x0  }
0x14: {  	s2 =	sld [smem:$0x3F9A];
	s0 =	simm.s32 @p1 $0x1  }
0x15: {  	[smem:$0x3FB7] =	sst s0;
	s0 =	simm.s32 @!p2 $0x0  }
0x16: {  	s3 =	sld [smem:$0x3FDB];
	s0 =	simm.s32 @p2 $0x1  }
0x17: {  	s4 =	simm.s32 $0x1BF5;
	[smem:$0x3FB9] =	sst s0  }
0x18: {  	s0 =	sld [smem:$0x3F9C];
	_ =	swait.ge [sflag:s4], $0x0  }
0x19: {  	s7 =	sld [smem:$0x3F9D]  }
0x1a: {  	s8 =	sadd.s32 $0xFFFFE003, lr  }
0x1b: {  	s9 =	sadd.s32 $0xFFFFFEF7, lr;
	s5 =	simm.s32 $0xFFFFFFFF;
	p2 =	slt.u32 s8, $0xFFFFF086  }
0x1c: {  	p1 =	slt.u32 s9, $0xF7A;
	s5 =	simm.s32 @!p2 $0x0  }
0x1d: {  	s5 =	simm.s32 @p1 $0x1;
	p0 =	seq.s32 s7, s2  }
0x1e: {  	s7 =	smul.u32 @!p0 $0xF7A, s2;
	p2 =	seq.s32 @!p0 s5, $0x0  }
0x1f: {  	s9 =	smul.u32 $0xF7A, s1;
	s8 =	simm.s32 @!p0 $0x1BF5;
	p2 =	por !p2, p0  }
0x20: {  	[sflag:s8] =	ssyncset.s32 @!p0 $0xFFFFF086;
	s6 =	sadd.s32 @!p0 s3, s7;
	s7 =	simm.s32 @!p0 $0x108  }
0x21: {  	s3 =	sadd.s32 s3, s9;
	s6 =	sadd.s32 @!p0 $0x88, s6;
	s7 =	simm.s32 @p2 $0x1082  }
0x22: {  	[simem:s7], [sflag:s8] =	dma.local @!p0 [hbm:s6], $0xF7A  }
0x23: {  	s9 =	sor.u32 $0xD0000000, s2;
	s6 =	simm.s32 $0x108;
	_ =	swait.ge @!p0 [sflag:s8], $0x0  }
0x24: {  	s3 =	sadd.s32 $0x88, s3;
	s6 =	simm.s32 @!p1 $0x1082;
	[sflag:s4] =	ssyncset.s32 $0xFFFFF086  }
0x25: {  	[simem:s6], [sflag:s4] =	dma.local [hbm:s3], $0xF7A  }
0x26: {  	[smem:$0x3F9D] =	sst s1;
	(tag) =	ssettag s2;
	_ =	strace s9  }
0x27: {  	s1 =	sld [smem:$0x3FAD]  }
0x28: {  	s2 =	sld [smem:$0x3FAE]  }
0x29: {  	s4 =	sld [smem:$0x3FB0]  }
0x2a: {  	p0 =	seq.s32 s5, $0x0;
	s5 =	sld [smem:$0x3FB1]  }
0x2b: {  	s6 =	sld [smem:$0x3FB2]  }
0x2c: {  	s7 =	sld [smem:$0x3FB3]  }
0x2d: {  	s3 =	simm.s32 $0x108;
	s8 =	sld [smem:$0x3FB4]  }
0x2e: {  	s3 =	simm.s32 @!p0 $0x1082;
	s9 =	sld [smem:$0x3FB5]  }
0x2f: {  	lr =	sadd.s32 s0, s3;
	s0 =	sld [smem:$0x3FAC]  }
0x30: {  	s3 =	sld [smem:$0x3FAF]  }
0x31: {  	[smem:$0x3FB8] =	sst s10  }
0x32: {  	s10 =	sld [smem:$0x3FB6];
	_ =	sdelay $0x3  }
0x33: {  	p0 =	seq.s32 s10, $0x1;
	s10 =	sld [smem:$0x3FB8];
	_ =	sdelay $0x3  }
0x34: {  	[smem:$0x3FB8] =	sst s10  }
0x35: {  	s10 =	sld [smem:$0x3FB7];
	_ =	sdelay $0x3  }
0x36: {  	p1 =	seq.s32 s10, $0x1;
	s10 =	sld [smem:$0x3FB8];
	_ =	sdelay $0x3  }
0x37: {  	[smem:$0x3FB8] =	sst s10  }
0x38: {  	s10 =	sld [smem:$0x3FB9]  }
0x39: {  	_ = 	snop;
	(pc) =	sbr.ind lr, $3  }
0x3a: {  	_ = 	snop  }
0x3b: {  	_ = 	snop  }
0x3c: {  	p2 =	seq.s32 s10, $0x1;
	s10 =	sld [smem:$0x3FB8]  }
0x3d: {  	_ =	shalt  }
0x3e: {  	_ =	shalt  }
0x3f: {  	_ =	shalt  }
0x40: {  	_ =	shalt  }
0x41: {  	_ =	shalt  }
0x42: {  	_ =	shalt  }
0x43: {  	_ =	shalt  }
0x44: {  	_ =	shalt  }
0x45: {  	_ =	shalt  }
0x46: {  	_ =	shalt  }
0x47: {  	_ =	shalt  }
0x48: {  	_ =	shalt  }
0x49: {  	_ =	shalt  }
0x4a: {  	_ =	shalt  }
0x4b: {  	_ =	shalt  }
0x4c: {  	_ =	shalt  }
0x4d: {  	_ =	shalt  }
0x4e: {  	_ =	shalt  }
0x4f: {  	_ =	shalt  }
0x50: {  	_ =	shalt  }
0x51: {  	_ =	shalt  }
0x52: {  	_ =	shalt  }
0x53: {  	_ =	shalt  }
0x54: {  	_ =	shalt  }
0x55: {  	_ =	shalt  }
0x56: {  	_ =	shalt  }
0x57: {  	_ =	shalt  }
0x58: {  	_ =	shalt  }
0x59: {  	_ =	shalt  }
0x5a: {  	_ =	shalt  }
0x5b: {  	_ =	shalt  }
0x5c: {  	_ =	shalt  }
0x5d: {  	_ =	shalt  }
0x5e: {  	_ =	shalt  }
0x5f: {  	_ =	shalt  }
0x60: {  	_ =	shalt  }
0x61: {  	_ =	shalt  }
0x62: {  	_ =	shalt  }
0x63: {  	_ =	shalt  }
0x64: {  	_ =	shalt  }
0x65: {  	_ =	shalt  }
0x66: {  	_ =	shalt  }
0x67: {  	_ =	shalt  }
0x68: {  	_ =	shalt  }
0x69: {  	_ =	shalt  }
0x6a: {  	_ =	shalt  }
0x6b: {  	_ =	shalt  }
0x6c: {  	_ =	shalt  }
0x6d: {  	_ =	shalt  }
0x6e: {  	_ =	shalt  }
0x6f: {  	_ =	shalt  }
0x70: {  	_ =	shalt  }
0x71: {  	_ =	shalt  }
0x72: {  	_ =	shalt  }
0x73: {  	_ =	shalt  }
0x74: {  	_ =	shalt  }
0x75: {  	_ =	shalt  }
0x76: {  	_ =	shalt  }
0x77: {  	_ =	shalt  }
0x78: {  	_ =	shalt  }
0x79: {  	_ =	shalt  }
0x7a: {  	_ =	shalt  }
0x7b: {  	_ =	shalt  }
0x7c: {  	_ =	shalt  }
0x7d: {  	_ =	shalt  }
0x7e: {  	_ =	shalt  }
0x7f: {  	_ =	shalt  }
0x80: {  	_ =	shalt  }
0x81: {  	_ =	shalt  }
0x82: {  	_ =	shalt  }
0x83: {  	_ =	shalt  }
0x84: {  	_ =	shalt  }
0x85: {  	_ =	shalt  }
0x86: {  	_ =	shalt  }
0x87: {  	_ =	shalt  }
.Lfunc_end0:
.L_simem_size_0:
called_computation.2_lowered:
.L_overlay_start_0:
0x88: {  	s2 =	sld [smem:$0x3FD9]  }
0x89: {  	s3 =	sld [smem:$0x3FFE];
	_ =	sdelay $0x1  }
0x8a: {  	s1 =	srdreg.scid  }
0x8b: {  	s0 =	sand.u32 $0x1, s1  }
0x8c: {  	s14 =	sshll.u32 s0, $0xA;
	s2 =	sadd.s32 s3, s2  }
0x8d: {  	s2 =	sadd.s32 s2, s14  }
0x8e: {  	[smem:$0x3FC4] =	sst s2  }
0x8f: {  	_ = 	snop  }
0x90: {  	s2 =	sld [smem:$0x3FD0];
	_ =	sdelay $0x2  }
0x91: {  	s4 =	simm.s32 $0xA;
	s5 =	simm.s32 $0x10;
	s15 =	sld [smem:$0x3FC6]  }
0x92: {  	[smem:s5], [sflag:s4] =	dma.local [hbm:s2], $0x1  }
0x93: {  	_ =	swait.eq [sflag:s4], $0x1  }
0x94: {  	[sflag:s4] =	ssyncset.done $0x0  }
0x95: {  	[sflag:s4] =	ssyncadd.s32 $0xFFFFFFFF  }
0x96: {  	s16 =	sld [smem:$0x10];
	(tm) =	ssettm $0x1  }
0x97: {  	s17 =	sld [smem:$0x3FFB];
	_ =	sdelay $0x3  }
0x98: {  	_ =	strace s17  }
0x99: {  	s4 =	sld [smem:$0x3FFC];
	_ =	sdelay $0x3  }
0x9a: {  	_ =	strace s4  }
0x9b: {  	s4 =	sld [smem:$0x3FFD];
	_ =	sdelay $0x3  }
0x9c: {  	_ =	strace s4  }
0x9d: {  	_ =	strace $0x8FFFFFFF  }
0x9e: {  	s18 =	sld [smem:$0x3FDB];
	_ =	sdelay $0x1  }
0x9f: {  	s19 =	simm.s32 $_scs_section_size  }
0xa0: {  	s6 =	simm.s32 $_size__tile_overlayer_lowered;
	s7 =	simm.s32 $_tile_overlayer_lowered  }
0xa1: {  	s22 =	simm.s32 $0x1BFF;
	s21 =	sshll.u32 s7, $0x1;
	s4 =	sadd.s32 s19, s18  }
0xa2: {  	s8 =	simm.s32 $0x0;
	s20 =	sshll.u32 s6, $0x1;
	s6 =	sadd.s32 s21, s4  }
0xa3: {  	[timem:s8], [sflag:s22] =	dma.local [hbm:s6], s20  }
0xa4: {  	_ =	swait.ge [sflag:s22], s20  }
0xa5: {  	s5 =	ssub.s32 $0x0, s20;
	[sflag:s22] =	ssyncset.done $0x0  }
0xa6: {  	[sflag:s22] =	ssyncadd.s32 s5;
	_ =	sdelay $0x1  }
0xa7: {  	s23 =	simm.s32 $0x1B8B  }
0xa8: {  	_ =	swait.ge [sflag:s23], $0x1  }
0xa9: {  	[sflag:s23] =	ssyncset.done $0x0  }
0xaa: {  	s25 =	simm.s32 $0x1B8E;
	s24 =	sld [smem:$0x3FFE];
	[sflag:s23] =	ssyncadd.s32 $0xFFFFFFFF  }
0xab: {  	s26 =	simm.s32 $execute0_lowered;
	[smem:$0x3FD2] =	sst s25  }
0xac: {  	s6 =	sshll.u32 s26, $0x1;
	_ =	strace $0x8000004C;
	[dreg:$0x1] =	wrdreg $0xFFFFFFFF  }
0xad: {  	s28 =	simm.s32 $_size_execute0_lowered;
	s4 =	sadd.s32 s4, s6;
	[dreg:$0x0] =	wrdreg $0x0  }
0xae: {  	s6 =	sshll.u32 s28, $0x1;
	[dreg:$0x2] =	wrdreg s4  }
0xaf: {  	[dreg:$0x3] =	wrdreg s6  }
0xb0: {  	[dreg:$0x4] =	wrdreg $0xC0  }
0xb1: {  	_ =	task [dreg:s8], $0x5FFFF  }
0xb2: {  	[dreg:$0x1] =	wrdreg $0xFFFFFFFF  }
0xb3: {  	[dreg:$0x0] =	wrdreg $0x60  }
0xb4: {  	[dreg:$0x2] =	wrdreg s15  }
0xb5: {  	[dreg:$0x3] =	wrdreg s24  }
0xb6: {  	[dreg:$0x4] =	wrdreg s16  }
0xb7: {  	[dreg:$0x5] =	wrdreg $0x9  }
0xb8: {  	_ =	task.clear_ibuf [dreg:s8], $0x6FFFF;
	_ =	strace $0x9000004C  }
0xb9: {  	s29 =	simm.s32 $0x9;
	_ =	strace $0x8000004E  }
0xba: {  	_ =	swait.ge [sflag:s29], $0x1  }
0xbb: {  	[sflag:s29] =	ssyncadd.s32 $0xFFFFFFFF  }
0xbc: {  	_ =	strace $0x9000004E  }
0xbd: {  	_ =	sfence  }
0xbe: {  	s30 =	sld [smem:$0x0];
	_ =	sdelay $0x2  }
0xbf: {  	s31 =	sshll.u32 s1, $0xD;
	s1 =	sshrl.u32 s1, $0x2  }
0xc0: {  	s3 =	sand.u32 $0x4000, s31;
	s1 =	sadd.s32 s1, s30  }
0xc1: {  	s0 =	sor.u32 s3, s0;
	s1 =	sshll.u32 s1, $0x11  }
0xc2: {  	s0 =	sor.u32 s1, s0  }
0xc3: {  	s0 =	sadd.s32 $0x8F2B, s0  }
0xc4: {  	[sflag:s0] =	ssyncadd.remote.s32 $0x1  }
0xc5: {  	_ =	sfence.sel $0xFFFF  }
0xc6: {  	[dreg:$0x0] =	wrdreg $0xFFFFFFFF;
	(pc) =	sbr.abs _section_cstart, $3  }
0xc7: {  	[dreg:$0x1] =	wrdreg $0xFFFFFFFF  }
0xc8: {  	_ =	task.clear_ibuf [dreg:s8], $0x2FFFF;
	_ =	strace $0x9FFFFFFF  }
0xc9: {  	(tm) =	ssettm $0x7FFFFFFF  }
tec
execute0_lowered:
.L_overlay_start_1:
0x0: {  	(tag) =	ssettag $0x1  }
0x1: {  	s1 =	rddreg [dreg:$0x0]  }
0x2: {  	s4 =	rddreg [dreg:$0x1]  }
0x3: {  	s5 =	rddreg [dreg:$0x2];
	s3 =	srdreg.scid  }
0x4: {  	s0 =	rddreg [dreg:$0x3];
	s2 =	stileid.u32;
	s10 =	simm.s32 $0x1080  }
0x5: {  	s11 =	simm.s32 $0x1880;
	s12 =	simm.s32 $0x2080;
	s13 =	simm.s32 $0x2880  }
0x6: {  	s14 =	simm.s32 $0x3080;
	s15 =	simm.s32 $0x3880;
	s16 =	simm.s32 $0x4080  }
0x7: {  	s17 =	simm.s32 $0x4880;
	s18 =	simm.s32 $0x5080;
	s19 =	simm.s32 $0x5880  }
0x8: {  	s20 =	simm.s32 $0x6080;
	s21 =	simm.s32 $0x6880;
	s22 =	simm.s32 $0x7080  }
0x9: {  	s23 =	simm.s32 $0x7880;
	s24 =	simm.s32 $0x1;
	s6 =	sand.u32 $0x1, s3  }
0xa: {  	s3 =	simm.s32 $0x0;
	s7 =	sshll.u32 s2, $0x8;
	s8 =	sshll.u32 s6, $0x7  }
0xb: {  	[smem:$0x7FF] =	sst s3;
	s6 =	ssub.s32 $0x2, s6;
	s7 =	sor.u32 s8, s7  }
0xc: {  	_ =	strace $0x8000004D;
	s9 =	sshrl.u32 s6, $0x1;
	s8 =	sshrl.u32 s7, $0x3  }
0xd: {  	v2 =	vlaneseq.u32;
	s6 =	ssub.s32 s6, s9;
	s7 =	sshll.u32 s7, $0x5;
	s9 =	simm.s32 $0x880  }
0xe: {  	vm0 =	vmmov $0xffff;
	v1 =	vshrl.u32 v2, $0x3;
	s4 =	sadd.s32 s8, s4;
	s5 =	sadd.s32 s5, s7;
	s6 =	smax.u32 s6, $0x1  }
0xf: {  	v0 =	vand.u32 $0x7, v2;
	v2 =	vor.u32 $0x8, v2;
	v1 =	vmul.u32 $0x8, v1;
	s7 =	simm.s32 $0x2;
	s8 =	simm.s32 $0x80;
	s4 =	sadd.s32 $0x3200, s4  }
.LBB2_1:
0x10: {  	[tilespmem:s3], [sflag:$0x2] =	stream.linear.gather [hbm4b:s4+s3], $0x80, $0x38;
	[tilespmem:$0x8080] =	vst v63  }
0x11: {  	_ =	swait.ge [sflag:s7], $0x80  }
0x12: {  	[sflag:s7] =	ssyncset.done $0x0  }
0x13: {  	[sflag:s7] =	ssyncadd.s32 $0xFFFFFF80  }
0x14: {  	v3 =	vld [tilespmem:$0x0];
	_ =	sdelay $0x4  }
0x15: {  	v4 =	vshll.u32 v3, $0x1  }
0x16: {  	v3 =	vand.u32 $0x7, v3;
	v4 =	vand.u32 $0xFFFFFFF0, v4  }
0x17: {  	v3 =	vor.u32 v3, v4  }
0x18: {  	v4 =	vperm.xlane v3, v0;
	_ =	sdelay $0x1  }
0x19: {  	v3 =	vperm.xlane v3, v2;
	v4 =	vadd.s32 v1, v4;
	_ =	sdelay $0x1  }
0x1a: {  	v3 =	vadd.s32 v1, v3;
	_ =	sdelay $0x2  }
0x1b: {  	[tilespmem:s8], [sflag:$0x1] =	stream.indirect_vreg.gather [hbm4b:s1+s3], $0x80, v4, vm0, $0xb8;
	[tilespmem:$0x8080] =	vst v63  }
0x1c: {  	_ = 	snop  }
0x1d: {  	[tilespmem:s9], [sflag:$0x1] =	stream.indirect_vreg.gather [hbm4b:s1+s3], $0x80, v3, vm0, $0xb8;
	[tilespmem:$0x8080] =	vst v63  }
0x1e: {  	v3 =	vld [tilespmem:$0x10];
	_ =	sdelay $0x4  }
0x1f: {  	v57 =	vshll.u32 v3, $0x1  }
0x20: {  	v3 =	vand.u32 $0x7, v3;
	v4 =	vand.u32 $0xFFFFFFF0, v57  }
0x21: {  	v3 =	vor.u32 v3, v4  }
0x22: {  	v4 =	vperm.xlane v3, v0;
	_ =	sdelay $0x1  }
0x23: {  	v3 =	vperm.xlane v3, v2;
	v4 =	vadd.s32 v1, v4;
	_ =	sdelay $0x1  }
0x24: {  	v3 =	vadd.s32 v1, v3;
	_ =	sdelay $0x2  }
0x25: {  	[tilespmem:s10], [sflag:$0x1] =	stream.indirect_vreg.gather [hbm4b:s1+s3], $0x80, v4, vm0, $0xb8;
	[tilespmem:$0x8080] =	vst v63  }
0x26: {  	_ = 	snop  }
0x27: {  	[tilespmem:s11], [sflag:$0x1] =	stream.indirect_vreg.gather [hbm4b:s1+s3], $0x80, v3, vm0, $0xb8;
	[tilespmem:$0x8080] =	vst v63  }
0x28: {  	v3 =	vld [tilespmem:$0x20];
	_ =	sdelay $0x4  }
0x29: {  	v58 =	vshll.u32 v3, $0x1  }
0x2a: {  	v3 =	vand.u32 $0x7, v3;
	v4 =	vand.u32 $0xFFFFFFF0, v58  }
0x2b: {  	v3 =	vor.u32 v3, v4  }
0x2c: {  	v4 =	vperm.xlane v3, v0;
	_ =	sdelay $0x1  }
0x2d: {  	v3 =	vperm.xlane v3, v2;
	v4 =	vadd.s32 v1, v4;
	_ =	sdelay $0x1  }
0x2e: {  	v3 =	vadd.s32 v1, v3;
	_ =	sdelay $0x2  }
0x2f: {  	[tilespmem:s12], [sflag:$0x1] =	stream.indirect_vreg.gather [hbm4b:s1+s3], $0x80, v4, vm0, $0xb8;
	[tilespmem:$0x8080] =	vst v63  }
0x30: {  	_ = 	snop  }
0x31: {  	[tilespmem:s13], [sflag:$0x1] =	stream.indirect_vreg.gather [hbm4b:s1+s3], $0x80, v3, vm0, $0xb8;
	[tilespmem:$0x8080] =	vst v63  }
0x32: {  	v3 =	vld [tilespmem:$0x30];
	_ =	sdelay $0x4  }
0x33: {  	v59 =	vshll.u32 v3, $0x1  }
0x34: {  	v3 =	vand.u32 $0x7, v3;
	v4 =	vand.u32 $0xFFFFFFF0, v59  }
0x35: {  	v3 =	vor.u32 v3, v4  }
0x36: {  	v4 =	vperm.xlane v3, v0;
	_ =	sdelay $0x1  }
0x37: {  	v3 =	vperm.xlane v3, v2;
	v4 =	vadd.s32 v1, v4;
	_ =	sdelay $0x1  }
0x38: {  	v3 =	vadd.s32 v1, v3;
	_ =	sdelay $0x2  }
0x39: {  	[tilespmem:s14], [sflag:$0x1] =	stream.indirect_vreg.gather [hbm4b:s1+s3], $0x80, v4, vm0, $0xb8;
	[tilespmem:$0x8080] =	vst v63  }
0x3a: {  	_ = 	snop  }
0x3b: {  	[tilespmem:s15], [sflag:$0x1] =	stream.indirect_vreg.gather [hbm4b:s1+s3], $0x80, v3, vm0, $0xb8;
	[tilespmem:$0x8080] =	vst v63  }
0x3c: {  	v3 =	vld [tilespmem:$0x40];
	_ =	sdelay $0x4  }
0x3d: {  	v60 =	vshll.u32 v3, $0x1  }
0x3e: {  	v3 =	vand.u32 $0x7, v3;
	v4 =	vand.u32 $0xFFFFFFF0, v60  }
0x3f: {  	v3 =	vor.u32 v3, v4  }
0x40: {  	v4 =	vperm.xlane v3, v0;
	_ =	sdelay $0x1  }
0x41: {  	v3 =	vperm.xlane v3, v2;
	v4 =	vadd.s32 v1, v4;
	_ =	sdelay $0x1  }
0x42: {  	v3 =	vadd.s32 v1, v3;
	_ =	sdelay $0x2  }
0x43: {  	[tilespmem:s16], [sflag:$0x1] =	stream.indirect_vreg.gather [hbm4b:s1+s3], $0x80, v4, vm0, $0xb8;
	[tilespmem:$0x8080] =	vst v63  }
0x44: {  	_ = 	snop  }
0x45: {  	[tilespmem:s17], [sflag:$0x1] =	stream.indirect_vreg.gather [hbm4b:s1+s3], $0x80, v3, vm0, $0xb8;
	[tilespmem:$0x8080] =	vst v63  }
0x46: {  	v3 =	vld [tilespmem:$0x50];
	_ =	sdelay $0x4  }
0x47: {  	v61 =	vshll.u32 v3, $0x1  }
0x48: {  	v3 =	vand.u32 $0x7, v3;
	v4 =	vand.u32 $0xFFFFFFF0, v61  }
0x49: {  	v3 =	vor.u32 v3, v4  }
0x4a: {  	v4 =	vperm.xlane v3, v0;
	_ =	sdelay $0x1  }
0x4b: {  	v3 =	vperm.xlane v3, v2;
	v4 =	vadd.s32 v1, v4;
	_ =	sdelay $0x1  }
0x4c: {  	v3 =	vadd.s32 v1, v3;
	_ =	sdelay $0x2  }
0x4d: {  	[tilespmem:s18], [sflag:$0x1] =	stream.indirect_vreg.gather [hbm4b:s1+s3], $0x80, v4, vm0, $0xb8;
	[tilespmem:$0x8080] =	vst v63  }
0x4e: {  	_ = 	snop  }
0x4f: {  	[tilespmem:s19], [sflag:$0x1] =	stream.indirect_vreg.gather [hbm4b:s1+s3], $0x80, v3, vm0, $0xb8;
	[tilespmem:$0x8080] =	vst v63  }
0x50: {  	v3 =	vld [tilespmem:$0x60];
	_ =	sdelay $0x4  }
0x51: {  	v62 =	vshll.u32 v3, $0x1  }
0x52: {  	v3 =	vand.u32 $0x7, v3;
	v4 =	vand.u32 $0xFFFFFFF0, v62  }
0x53: {  	v3 =	vor.u32 v3, v4  }
0x54: {  	v4 =	vperm.xlane v3, v0;
	_ =	sdelay $0x1  }
0x55: {  	v3 =	vperm.xlane v3, v2;
	v4 =	vadd.s32 v1, v4;
	_ =	sdelay $0x1  }
0x56: {  	v3 =	vadd.s32 v1, v3;
	_ =	sdelay $0x2  }
0x57: {  	[tilespmem:s20], [sflag:$0x1] =	stream.indirect_vreg.gather [hbm4b:s1+s3], $0x80, v4, vm0, $0xb8;
	[tilespmem:$0x8080] =	vst v63  }
0x58: {  	_ = 	snop  }
0x59: {  	[tilespmem:s21], [sflag:$0x1] =	stream.indirect_vreg.gather [hbm4b:s1+s3], $0x80, v3, vm0, $0xb8;
	[tilespmem:$0x8080] =	vst v63  }
0x5a: {  	v3 =	vld [tilespmem:$0x70];
	_ =	sdelay $0x4  }
0x5b: {  	v63 =	vshll.u32 v3, $0x1  }
0x5c: {  	v3 =	vand.u32 $0x7, v3;
	v4 =	vand.u32 $0xFFFFFFF0, v63  }
0x5d: {  	v3 =	vor.u32 v3, v4  }
0x5e: {  	v4 =	vperm.xlane v3, v0;
	_ =	sdelay $0x1  }
0x5f: {  	v3 =	vperm.xlane v3, v2;
	v4 =	vadd.s32 v1, v4;
	_ =	sdelay $0x1  }
0x60: {  	v3 =	vadd.s32 v1, v3;
	_ =	sdelay $0x2  }
0x61: {  	[tilespmem:s22], [sflag:$0x1] =	stream.indirect_vreg.gather [hbm4b:s1+s3], $0x80, v4, vm0, $0xb8;
	[tilespmem:$0x8080] =	vst v63  }
0x62: {  	_ = 	snop  }
0x63: {  	[tilespmem:s23], [sflag:$0x1] =	stream.indirect_vreg.gather [hbm4b:s1+s3], $0x80, v3, vm0, $0xb8;
	[tilespmem:$0x8080] =	vst v63  }
0x64: {  	_ =	swait.ge [sflag:s24], $0x8000  }
0x65: {  	p0 =	sne.s32 s6, $0x1;
	[sflag:s24] =	ssyncset.done $0x0  }
.Ltmp0:
0x66: {  	[sflag:s24] =	ssyncadd.s32 $0xFFFF8000;
	(pc) =	sbr.rel @p0 .LBB2_1-.Ltmp0, $4  }
0x67: {  	[hbm4b:s5+s3] =	stream.linear.scatter [tilespmem:s8], [sflag:$0x2], $0x8000, $0x38;
	[tilespmem:$0x8080] =	vst v63  }
0x68: {  	_ =	swait.ge [sflag:s7], $0x8000  }
0x69: {  	[sflag:s7] =	ssyncset.done $0x0  }
0x6a: {  	s6 =	sadd.s32 $0xFFFFFFFF, s6;
	[sflag:s7] =	ssyncadd.s32 $0xFFFF8000  }
0x6b: {  	_ =	sfence.sel $0x180000  }
0x6c: {  	[bflag:$0x0] =	sbarrier.arrive $0xFFFF  }
0x6d: {  	p0 =	sne.s32 s2, $0x0;
	_ =	strace $0x9000004D  }
0x6e: {  	s0 =	sadd.s32 @!p0 $0x100000, s0;
	[bflag:$0x2] =	sbarrier.arrive $0xFFFF  }
0x6f: {  	[sflag:s0] =	ssyncadd.tile.s32 @!p0 $0x1;
	_ =	shalt  }
.Lfunc_end2:
_tile_overlayer_lowered:
.L_overlay_start_2:
0x70: {  	(tag) =	ssettag $0x2  }
0x71: {  	s0 =	rddreg [dreg:$0x0];
	s2 =	stileid.u32  }
0x72: {  	s1 =	rddreg [dreg:$0x1];
	p0 =	sne.s32 s2, $0x0  }
0x73: {  	s3 =	rddreg [dreg:$0x2];
	[bflag:$0x3] =	sbarrier.arrive $0xFFFF;
	s2 =	simm.s32 @!p0 $0x1C02  }
0x74: {  	[timem:s3], [sflag:s2] =	dma.local @!p0 [hbm:s0], s1  }
0x75: {  	s0 =	simm.s32 @!p0 $0x2  }
0x76: {  	_ =	swait.ge @!p0 [sflag:s0], s1  }
0x77: {  	s1 =	ssub.s32 @!p0 $0x0, s1;
	[sflag:s0] =	ssyncset.done @!p0 $0x0  }
0x78: {  	[sflag:s0] =	ssyncadd.s32 @!p0 s1  }
0x79: {  	[bflag:$0x3] =	sbarrier.arrive $0xFFFF  }
0x7a: {  	_ =	shalt  }

// kernel: kernel.9.cloned.1.call-start
scs
__scs_entry_jumppad:
0x0: {  	(pc) =	sbr.rel $0x88, $3  }
0x1: {  	(tag) =	ssettag $0x0;
	lr =	simm.s32 $0x1  }
0x2: {  	[smem:$0x3F9D] =	sst lr;
	_ =	strace $0xD0000000  }
0x3: {  	_ = 	snop  }
0x4: {  	_ = 	snop  }
0x5: {  	_ = 	snop  }
0x6: {  	_ = 	snop  }
0x7: {  	_ = 	snop  }
__scs_overlays_trampoline_lowered:
0x8: {  	[smem:$0x3FAC] =	sst s0  }
0x9: {  	[smem:$0x3FAD] =	sst s1  }
0xa: {  	[smem:$0x3FAE] =	sst s2  }
0xb: {  	[smem:$0x3FAF] =	sst s3  }
0xc: {  	[smem:$0x3FB0] =	sst s4  }
0xd: {  	[smem:$0x3FB1] =	sst s5  }
0xe: {  	[smem:$0x3FB2] =	sst s6  }
0xf: {  	[smem:$0x3FB3] =	sst s7  }
0x10: {  	[smem:$0x3FB4] =	sst s8  }
0x11: {  	[smem:$0x3FB5] =	sst s9;
	s0 =	simm.s32 @!p0 $0x0  }
0x12: {  	s1 =	sld [smem:$0x3F9B];
	s0 =	simm.s32 @p0 $0x1  }
0x13: {  	[smem:$0x3FB6] =	sst s0;
	s0 =	simm.s32 @!p1 $0x0  }
0x14: {  	s2 =	sld [smem:$0x3F9A];
	s0 =	simm.s32 @p1 $0x1  }
0x15: {  	[smem:$0x3FB7] =	sst s0;
	s0 =	simm.s32 @!p2 $0x0  }
0x16: {  	s3 =	sld [smem:$0x3FDB];
	s0 =	simm.s32 @p2 $0x1  }
0x17: {  	s4 =	simm.s32 $0x1BF5;
	[smem:$0x3FB9] =	sst s0  }
0x18: {  	s0 =	sld [smem:$0x3F9C];
	_ =	swait.ge [sflag:s4], $0x0  }
0x19: {  	s7 =	sld [smem:$0x3F9D]  }
0x1a: {  	s8 =	sadd.s32 $0xFFFFE003, lr  }
0x1b: {  	s9 =	sadd.s32 $0xFFFFFEF7, lr;
	s5 =	simm.s32 $0xFFFFFFFF;
	p2 =	slt.u32 s8, $0xFFFFF086  }
0x1c: {  	p1 =	slt.u32 s9, $0xF7A;
	s5 =	simm.s32 @!p2 $0x0  }
0x1d: {  	s5 =	simm.s32 @p1 $0x1;
	p0 =	seq.s32 s7, s2  }
0x1e: {  	s7 =	smul.u32 @!p0 $0xF7A, s2;
	p2 =	seq.s32 @!p0 s5, $0x0  }
0x1f: {  	s9 =	smul.u32 $0xF7A, s1;
	s8 =	simm.s32 @!p0 $0x1BF5;
	p2 =	por !p2, p0  }
0x20: {  	[sflag:s8] =	ssyncset.s32 @!p0 $0xFFFFF086;
	s6 =	sadd.s32 @!p0 s3, s7;
	s7 =	simm.s32 @!p0 $0x108  }
0x21: {  	s3 =	sadd.s32 s3, s9;
	s6 =	sadd.s32 @!p0 $0x88, s6;
	s7 =	simm.s32 @p2 $0x1082  }
0x22: {  	[simem:s7], [sflag:s8] =	dma.local @!p0 [hbm:s6], $0xF7A  }
0x23: {  	s9 =	sor.u32 $0xD0000000, s2;
	s6 =	simm.s32 $0x108;
	_ =	swait.ge @!p0 [sflag:s8], $0x0  }
0x24: {  	s3 =	sadd.s32 $0x88, s3;
	s6 =	simm.s32 @!p1 $0x1082;
	[sflag:s4] =	ssyncset.s32 $0xFFFFF086  }
0x25: {  	[simem:s6], [sflag:s4] =	dma.local [hbm:s3], $0xF7A  }
0x26: {  	[smem:$0x3F9D] =	sst s1;
	(tag) =	ssettag s2;
	_ =	strace s9  }
0x27: {  	s1 =	sld [smem:$0x3FAD]  }
0x28: {  	s2 =	sld [smem:$0x3FAE]  }
0x29: {  	s4 =	sld [smem:$0x3FB0]  }
0x2a: {  	p0 =	seq.s32 s5, $0x0;
	s5 =	sld [smem:$0x3FB1]  }
0x2b: {  	s6 =	sld [smem:$0x3FB2]  }
0x2c: {  	s7 =	sld [smem:$0x3FB3]  }
0x2d: {  	s3 =	simm.s32 $0x108;
	s8 =	sld [smem:$0x3FB4]  }
0x2e: {  	s3 =	simm.s32 @!p0 $0x1082;
	s9 =	sld [smem:$0x3FB5]  }
0x2f: {  	lr =	sadd.s32 s0, s3;
	s0 =	sld [smem:$0x3FAC]  }
0x30: {  	s3 =	sld [smem:$0x3FAF]  }
0x31: {  	[smem:$0x3FB8] =	sst s10  }
0x32: {  	s10 =	sld [smem:$0x3FB6];
	_ =	sdelay $0x3  }
0x33: {  	p0 =	seq.s32 s10, $0x1;
	s10 =	sld [smem:$0x3FB8];
	_ =	sdelay $0x3  }
0x34: {  	[smem:$0x3FB8] =	sst s10  }
0x35: {  	s10 =	sld [smem:$0x3FB7];
	_ =	sdelay $0x3  }
0x36: {  	p1 =	seq.s32 s10, $0x1;
	s10 =	sld [smem:$0x3FB8];
	_ =	sdelay $0x3  }
0x37: {  	[smem:$0x3FB8] =	sst s10  }
0x38: {  	s10 =	sld [smem:$0x3FB9]  }
0x39: {  	_ = 	snop;
	(pc) =	sbr.ind lr, $3  }
0x3a: {  	_ = 	snop  }
0x3b: {  	_ = 	snop  }
0x3c: {  	p2 =	seq.s32 s10, $0x1;
	s10 =	sld [smem:$0x3FB8]  }
0x3d: {  	_ =	shalt  }
0x3e: {  	_ =	shalt  }
0x3f: {  	_ =	shalt  }
0x40: {  	_ =	shalt  }
0x41: {  	_ =	shalt  }
0x42: {  	_ =	shalt  }
0x43: {  	_ =	shalt  }
0x44: {  	_ =	shalt  }
0x45: {  	_ =	shalt  }
0x46: {  	_ =	shalt  }
0x47: {  	_ =	shalt  }
0x48: {  	_ =	shalt  }
0x49: {  	_ =	shalt  }
0x4a: {  	_ =	shalt  }
0x4b: {  	_ =	shalt  }
0x4c: {  	_ =	shalt  }
0x4d: {  	_ =	shalt  }
0x4e: {  	_ =	shalt  }
0x4f: {  	_ =	shalt  }
0x50: {  	_ =	shalt  }
0x51: {  	_ =	shalt  }
0x52: {  	_ =	shalt  }
0x53: {  	_ =	shalt  }
0x54: {  	_ =	shalt  }
0x55: {  	_ =	shalt  }
0x56: {  	_ =	shalt  }
0x57: {  	_ =	shalt  }
0x58: {  	_ =	shalt  }
0x59: {  	_ =	shalt  }
0x5a: {  	_ =	shalt  }
0x5b: {  	_ =	shalt  }
0x5c: {  	_ =	shalt  }
0x5d: {  	_ =	shalt  }
0x5e: {  	_ =	shalt  }
0x5f: {  	_ =	shalt  }
0x60: {  	_ =	shalt  }
0x61: {  	_ =	shalt  }
0x62: {  	_ =	shalt  }
0x63: {  	_ =	shalt  }
0x64: {  	_ =	shalt  }
0x65: {  	_ =	shalt  }
0x66: {  	_ =	shalt  }
0x67: {  	_ =	shalt  }
0x68: {  	_ =	shalt  }
0x69: {  	_ =	shalt  }
0x6a: {  	_ =	shalt  }
0x6b: {  	_ =	shalt  }
0x6c: {  	_ =	shalt  }
0x6d: {  	_ =	shalt  }
0x6e: {  	_ =	shalt  }
0x6f: {  	_ =	shalt  }
0x70: {  	_ =	shalt  }
0x71: {  	_ =	shalt  }
0x72: {  	_ =	shalt  }
0x73: {  	_ =	shalt  }
0x74: {  	_ =	shalt  }
0x75: {  	_ =	shalt  }
0x76: {  	_ =	shalt  }
0x77: {  	_ =	shalt  }
0x78: {  	_ =	shalt  }
0x79: {  	_ =	shalt  }
0x7a: {  	_ =	shalt  }
0x7b: {  	_ =	shalt  }
0x7c: {  	_ =	shalt  }
0x7d: {  	_ =	shalt  }
0x7e: {  	_ =	shalt  }
0x7f: {  	_ =	shalt  }
0x80: {  	_ =	shalt  }
0x81: {  	_ =	shalt  }
0x82: {  	_ =	shalt  }
0x83: {  	_ =	shalt  }
0x84: {  	_ =	shalt  }
0x85: {  	_ =	shalt  }
0x86: {  	_ =	shalt  }
0x87: {  	_ =	shalt  }
.Lfunc_end0:
.L_simem_size_0:
called_computation_lowered:
.L_overlay_start_0:
0x88: {  	s2 =	sld [smem:$0x3FD9]  }
0x89: {  	s3 =	sld [smem:$0x3FFE];
	_ =	sdelay $0x1  }
0x8a: {  	s1 =	srdreg.scid  }
0x8b: {  	s0 =	sand.u32 $0x1, s1  }
0x8c: {  	s15 =	sshll.u32 s0, $0xA;
	s2 =	sadd.s32 s3, s2  }
0x8d: {  	s2 =	sadd.s32 s2, s15  }
0x8e: {  	[smem:$0x3FC4] =	sst s2  }
0x8f: {  	_ = 	snop  }
0x90: {  	s2 =	sld [smem:$0x3FD0];
	_ =	sdelay $0x2  }
0x91: {  	s4 =	simm.s32 $0xA;
	s5 =	simm.s32 $0x10;
	s16 =	sld [smem:$0x3FC8]  }
0x92: {  	[smem:s5], [sflag:s4] =	dma.local [hbm:s2], $0x1  }
0x93: {  	_ =	swait.eq [sflag:s4], $0x1  }
0x94: {  	[sflag:s4] =	ssyncset.done $0x0  }
0x95: {  	s17 =	sld [smem:$0x10];
	[sflag:s4] =	ssyncadd.s32 $0xFFFFFFFF  }
0x96: {  	s18 =	sld [smem:$0x11];
	(tm) =	ssettm $0x1  }
0x97: {  	s19 =	sld [smem:$0x3FFB];
	_ =	sdelay $0x3  }
0x98: {  	_ =	strace s19  }
0x99: {  	s5 =	sld [smem:$0x3FFC];
	_ =	sdelay $0x3  }
0x9a: {  	_ =	strace s5  }
0x9b: {  	s5 =	sld [smem:$0x3FFD];
	_ =	sdelay $0x3  }
0x9c: {  	_ =	strace s5  }
0x9d: {  	_ =	strace $0x8FFFFFFF  }
0x9e: {  	s20 =	sld [smem:$0x3FDB];
	_ =	sdelay $0x1  }
0x9f: {  	s6 =	simm.s32 $_scs_section_size  }
0xa0: {  	s7 =	simm.s32 $_size__tile_overlayer_lowered;
	s8 =	simm.s32 $_tile_overlayer_lowered  }
0xa1: {  	s23 =	simm.s32 $0x1BFF;
	s22 =	sshll.u32 s8, $0x1;
	s5 =	sadd.s32 s6, s20  }
0xa2: {  	s9 =	simm.s32 $0x0;
	s21 =	sshll.u32 s7, $0x1;
	s7 =	sadd.s32 s22, s5  }
0xa3: {  	[timem:s9], [sflag:s23] =	dma.local [hbm:s7], s21  }
0xa4: {  	_ =	swait.ge [sflag:s23], s21  }
0xa5: {  	s6 =	ssub.s32 $0x0, s21;
	[sflag:s23] =	ssyncset.done $0x0  }
0xa6: {  	[sflag:s23] =	ssyncadd.s32 s6;
	_ =	sdelay $0x1  }
0xa7: {  	s24 =	simm.s32 $0x1B8B  }
0xa8: {  	_ =	swait.ge [sflag:s24], $0x1  }
0xa9: {  	[sflag:s24] =	ssyncset.done $0x0  }
0xaa: {  	s25 =	simm.s32 $0x1B8E;
	[sflag:s24] =	ssyncadd.s32 $0xFFFFFFFF  }
0xab: {  	s26 =	simm.s32 $execute0_lowered;
	[smem:$0x3FD2] =	sst s25  }
0xac: {  	s6 =	sshll.u32 s26, $0x1;
	_ =	strace $0x80000046;
	[dreg:$0x1] =	wrdreg $0xFFFFFFFF  }
0xad: {  	s28 =	simm.s32 $_size_execute0_lowered;
	s5 =	sadd.s32 s5, s6;
	[dreg:$0x0] =	wrdreg $0x0  }
0xae: {  	s6 =	sshll.u32 s28, $0x1;
	[dreg:$0x2] =	wrdreg s5  }
0xaf: {  	[dreg:$0x3] =	wrdreg s6  }
0xb0: {  	[dreg:$0x4] =	wrdreg $0xC0  }
0xb1: {  	_ =	task [dreg:s9], $0x5FFFF  }
0xb2: {  	[dreg:$0x1] =	wrdreg $0xFFFFFFFF  }
0xb3: {  	[dreg:$0x0] =	wrdreg $0x60  }
0xb4: {  	[dreg:$0x2] =	wrdreg s16  }
0xb5: {  	[dreg:$0x3] =	wrdreg s18  }
0xb6: {  	[dreg:$0x4] =	wrdreg s17  }
0xb7: {  	[dreg:$0x5] =	wrdreg $0x9  }
0xb8: {  	_ =	task.clear_ibuf [dreg:s9], $0x6FFFF;
	_ =	strace $0x90000046  }
0xb9: {  	s29 =	simm.s32 $0x9;
	_ =	strace $0x80000048  }
0xba: {  	_ =	swait.ge [sflag:s29], $0x1  }
0xbb: {  	[sflag:s29] =	ssyncadd.s32 $0xFFFFFFFF  }
0xbc: {  	_ =	strace $0x90000048  }
0xbd: {  	_ =	sfence  }
0xbe: {  	s30 =	sld [smem:$0x0];
	_ =	sdelay $0x2  }
0xbf: {  	s31 =	sshll.u32 s1, $0xD;
	s1 =	sshrl.u32 s1, $0x2  }
0xc0: {  	s3 =	sand.u32 $0x4000, s31;
	s1 =	sadd.s32 s1, s30  }
0xc1: {  	s0 =	sor.u32 s3, s0;
	s1 =	sshll.u32 s1, $0x11  }
0xc2: {  	s0 =	sor.u32 s1, s0  }
0xc3: {  	s0 =	sadd.s32 $0x8F2B, s0  }
0xc4: {  	[sflag:s0] =	ssyncadd.remote.s32 $0x1  }
0xc5: {  	_ =	sfence.sel $0xFFFF  }
0xc6: {  	[dreg:$0x0] =	wrdreg $0xFFFFFFFF;
	(pc) =	sbr.abs _section_cstart, $3  }
0xc7: {  	[dreg:$0x1] =	wrdreg $0xFFFFFFFF  }
0xc8: {  	_ =	task.clear_ibuf [dreg:s9], $0x2FFFF;
	_ =	strace $0x9FFFFFFF  }
0xc9: {  	(tm) =	ssettm $0x7FFFFFFF  }
tec
execute0_lowered:
.L_overlay_start_1:
0x0: {  	(tag) =	ssettag $0x1  }
0x1: {  	s1 =	rddreg [dreg:$0x0]  }
0x2: {  	s4 =	rddreg [dreg:$0x1]  }
0x3: {  	s5 =	rddreg [dreg:$0x2]  }
0x4: {  	s0 =	rddreg [dreg:$0x3];
	s3 =	simm.s32 $0x0;
	s6 =	srdreg.scid  }
0x5: {  	s2 =	stileid.u32;
	s10 =	simm.s32 $0x1080;
	s11 =	simm.s32 $0x1880  }
0x6: {  	s12 =	simm.s32 $0x2080;
	s13 =	simm.s32 $0x2880;
	s14 =	simm.s32 $0x3080  }
0x7: {  	s15 =	simm.s32 $0x3880;
	s16 =	simm.s32 $0x4080;
	s17 =	simm.s32 $0x4880  }
0x8: {  	s18 =	simm.s32 $0x5080;
	s19 =	simm.s32 $0x5880;
	s20 =	simm.s32 $0x6080  }
0x9: {  	s21 =	simm.s32 $0x6880;
	s22 =	simm.s32 $0x7080;
	s23 =	simm.s32 $0x7880  }
0xa: {  	s24 =	simm.s32 $0x1;
	[smem:$0x7FF] =	sst s3;
	s6 =	sand.u32 $0x1, s6  }
0xb: {  	s8 =	sshll.u32 s2, $0x8;
	s7 =	ssub.s32 $0x2, s6;
	s6 =	sshll.u32 s6, $0x7  }
0xc: {  	_ =	strace $0x80000047;
	s9 =	sshrl.u32 s7, $0x1;
	s6 =	sor.u32 s6, s8  }
0xd: {  	v2 =	vlaneseq.u32;
	s7 =	ssub.s32 s7, s9;
	s8 =	sshrl.u32 s6, $0x3;
	s6 =	sshll.u32 s6, $0x5  }
0xe: {  	vm0 =	vmmov $0xffff;
	v1 =	vshrl.u32 v2, $0x3;
	s9 =	simm.s32 $0x880;
	s4 =	sadd.s32 s4, s8;
	s5 =	sadd.s32 s5, s6  }
0xf: {  	v0 =	vand.u32 $0x7, v2;
	v2 =	vor.u32 $0x8, v2;
	v1 =	vmul.u32 $0x8, v1;
	s6 =	smax.u32 s7, $0x1;
	s7 =	simm.s32 $0x2;
	s8 =	simm.s32 $0x80  }
.LBB2_1:
0x10: {  	[tilespmem:s3], [sflag:$0x2] =	stream.linear.gather [hbm4b:s4+s3], $0x80, $0x38;
	[tilespmem:$0x8080] =	vst v63  }
0x11: {  	_ =	swait.ge [sflag:s7], $0x80  }
0x12: {  	[sflag:s7] =	ssyncset.done $0x0  }
0x13: {  	[sflag:s7] =	ssyncadd.s32 $0xFFFFFF80  }
0x14: {  	v3 =	vld [tilespmem:$0x0];
	_ =	sdelay $0x4  }
0x15: {  	v4 =	vshll.u32 v3, $0x1  }
0x16: {  	v3 =	vand.u32 $0x7, v3;
	v4 =	vand.u32 $0xFFFFFFF0, v4  }
0x17: {  	v3 =	vor.u32 v3, v4  }
0x18: {  	v4 =	vperm.xlane v3, v0;
	_ =	sdelay $0x1  }
0x19: {  	v3 =	vperm.xlane v3, v2;
	v4 =	vadd.s32 v1, v4;
	_ =	sdelay $0x1  }
0x1a: {  	v3 =	vadd.s32 v1, v3;
	_ =	sdelay $0x2  }
0x1b: {  	[tilespmem:s8], [sflag:$0x1] =	stream.indirect_vreg.gather [hbm4b:s1+s3], $0x80, v4, vm0, $0xb8;
	[tilespmem:$0x8080] =	vst v63  }
0x1c: {  	_ = 	snop  }
0x1d: {  	[tilespmem:s9], [sflag:$0x1] =	stream.indirect_vreg.gather [hbm4b:s1+s3], $0x80, v3, vm0, $0xb8;
	[tilespmem:$0x8080] =	vst v63  }
0x1e: {  	v3 =	vld [tilespmem:$0x10];
	_ =	sdelay $0x4  }
0x1f: {  	v57 =	vshll.u32 v3, $0x1  }
0x20: {  	v3 =	vand.u32 $0x7, v3;
	v4 =	vand.u32 $0xFFFFFFF0, v57  }
0x21: {  	v3 =	vor.u32 v3, v4  }
0x22: {  	v4 =	vperm.xlane v3, v0;
	_ =	sdelay $0x1  }
0x23: {  	v3 =	vperm.xlane v3, v2;
	v4 =	vadd.s32 v1, v4;
	_ =	sdelay $0x1  }
0x24: {  	v3 =	vadd.s32 v1, v3;
	_ =	sdelay $0x2  }
0x25: {  	[tilespmem:s10], [sflag:$0x1] =	stream.indirect_vreg.gather [hbm4b:s1+s3], $0x80, v4, vm0, $0xb8;
	[tilespmem:$0x8080] =	vst v63  }
0x26: {  	_ = 	snop  }
0x27: {  	[tilespmem:s11], [sflag:$0x1] =	stream.indirect_vreg.gather [hbm4b:s1+s3], $0x80, v3, vm0, $0xb8;
	[tilespmem:$0x8080] =	vst v63  }
0x28: {  	v3 =	vld [tilespmem:$0x20];
	_ =	sdelay $0x4  }
0x29: {  	v58 =	vshll.u32 v3, $0x1  }
0x2a: {  	v3 =	vand.u32 $0x7, v3;
	v4 =	vand.u32 $0xFFFFFFF0, v58  }
0x2b: {  	v3 =	vor.u32 v3, v4  }
0x2c: {  	v4 =	vperm.xlane v3, v0;
	_ =	sdelay $0x1  }
0x2d: {  	v3 =	vperm.xlane v3, v2;
	v4 =	vadd.s32 v1, v4;
	_ =	sdelay $0x1  }
0x2e: {  	v3 =	vadd.s32 v1, v3;
	_ =	sdelay $0x2  }
0x2f: {  	[tilespmem:s12], [sflag:$0x1] =	stream.indirect_vreg.gather [hbm4b:s1+s3], $0x80, v4, vm0, $0xb8;
	[tilespmem:$0x8080] =	vst v63  }
0x30: {  	_ = 	snop  }
0x31: {  	[tilespmem:s13], [sflag:$0x1] =	stream.indirect_vreg.gather [hbm4b:s1+s3], $0x80, v3, vm0, $0xb8;
	[tilespmem:$0x8080] =	vst v63  }
0x32: {  	v3 =	vld [tilespmem:$0x30];
	_ =	sdelay $0x4  }
0x33: {  	v59 =	vshll.u32 v3, $0x1  }
0x34: {  	v3 =	vand.u32 $0x7, v3;
	v4 =	vand.u32 $0xFFFFFFF0, v59  }
0x35: {  	v3 =	vor.u32 v3, v4  }
0x36: {  	v4 =	vperm.xlane v3, v0;
	_ =	sdelay $0x1  }
0x37: {  	v3 =	vperm.xlane v3, v2;
	v4 =	vadd.s32 v1, v4;
	_ =	sdelay $0x1  }
0x38: {  	v3 =	vadd.s32 v1, v3;
	_ =	sdelay $0x2  }
0x39: {  	[tilespmem:s14], [sflag:$0x1] =	stream.indirect_vreg.gather [hbm4b:s1+s3], $0x80, v4, vm0, $0xb8;
	[tilespmem:$0x8080] =	vst v63  }
0x3a: {  	_ = 	snop  }
0x3b: {  	[tilespmem:s15], [sflag:$0x1] =	stream.indirect_vreg.gather [hbm4b:s1+s3], $0x80, v3, vm0, $0xb8;
	[tilespmem:$0x8080] =	vst v63  }
0x3c: {  	v3 =	vld [tilespmem:$0x40];
	_ =	sdelay $0x4  }
0x3d: {  	v60 =	vshll.u32 v3, $0x1  }
0x3e: {  	v3 =	vand.u32 $0x7, v3;
	v4 =	vand.u32 $0xFFFFFFF0, v60  }
0x3f: {  	v3 =	vor.u32 v3, v4  }
0x40: {  	v4 =	vperm.xlane v3, v0;
	_ =	sdelay $0x1  }
0x41: {  	v3 =	vperm.xlane v3, v2;
	v4 =	vadd.s32 v1, v4;
	_ =	sdelay $0x1  }
0x42: {  	v3 =	vadd.s32 v1, v3;
	_ =	sdelay $0x2  }
0x43: {  	[tilespmem:s16], [sflag:$0x1] =	stream.indirect_vreg.gather [hbm4b:s1+s3], $0x80, v4, vm0, $0xb8;
	[tilespmem:$0x8080] =	vst v63  }
0x44: {  	_ = 	snop  }
0x45: {  	[tilespmem:s17], [sflag:$0x1] =	stream.indirect_vreg.gather [hbm4b:s1+s3], $0x80, v3, vm0, $0xb8;
	[tilespmem:$0x8080] =	vst v63  }
0x46: {  	v3 =	vld [tilespmem:$0x50];
	_ =	sdelay $0x4  }
0x47: {  	v61 =	vshll.u32 v3, $0x1  }
0x48: {  	v3 =	vand.u32 $0x7, v3;
	v4 =	vand.u32 $0xFFFFFFF0, v61  }
0x49: {  	v3 =	vor.u32 v3, v4  }
0x4a: {  	v4 =	vperm.xlane v3, v0;
	_ =	sdelay $0x1  }
0x4b: {  	v3 =	vperm.xlane v3, v2;
	v4 =	vadd.s32 v1, v4;
	_ =	sdelay $0x1  }
0x4c: {  	v3 =	vadd.s32 v1, v3;
	_ =	sdelay $0x2  }
0x4d: {  	[tilespmem:s18], [sflag:$0x1] =	stream.indirect_vreg.gather [hbm4b:s1+s3], $0x80, v4, vm0, $0xb8;
	[tilespmem:$0x8080] =	vst v63  }
0x4e: {  	_ = 	snop  }
0x4f: {  	[tilespmem:s19], [sflag:$0x1] =	stream.indirect_vreg.gather [hbm4b:s1+s3], $0x80, v3, vm0, $0xb8;
	[tilespmem:$0x8080] =	vst v63  }
0x50: {  	v3 =	vld [tilespmem:$0x60];
	_ =	sdelay $0x4  }
0x51: {  	v62 =	vshll.u32 v3, $0x1  }
0x52: {  	v3 =	vand.u32 $0x7, v3;
	v4 =	vand.u32 $0xFFFFFFF0, v62  }
0x53: {  	v3 =	vor.u32 v3, v4  }
0x54: {  	v4 =	vperm.xlane v3, v0;
	_ =	sdelay $0x1  }
0x55: {  	v3 =	vperm.xlane v3, v2;
	v4 =	vadd.s32 v1, v4;
	_ =	sdelay $0x1  }
0x56: {  	v3 =	vadd.s32 v1, v3;
	_ =	sdelay $0x2  }
0x57: {  	[tilespmem:s20], [sflag:$0x1] =	stream.indirect_vreg.gather [hbm4b:s1+s3], $0x80, v4, vm0, $0xb8;
	[tilespmem:$0x8080] =	vst v63  }
0x58: {  	_ = 	snop  }
0x59: {  	[tilespmem:s21], [sflag:$0x1] =	stream.indirect_vreg.gather [hbm4b:s1+s3], $0x80, v3, vm0, $0xb8;
	[tilespmem:$0x8080] =	vst v63  }
0x5a: {  	v3 =	vld [tilespmem:$0x70];
	_ =	sdelay $0x4  }
0x5b: {  	v63 =	vshll.u32 v3, $0x1  }
0x5c: {  	v3 =	vand.u32 $0x7, v3;
	v4 =	vand.u32 $0xFFFFFFF0, v63  }
0x5d: {  	v3 =	vor.u32 v3, v4  }
0x5e: {  	v4 =	vperm.xlane v3, v0;
	_ =	sdelay $0x1  }
0x5f: {  	v3 =	vperm.xlane v3, v2;
	v4 =	vadd.s32 v1, v4;
	_ =	sdelay $0x1  }
0x60: {  	v3 =	vadd.s32 v1, v3;
	_ =	sdelay $0x2  }
0x61: {  	[tilespmem:s22], [sflag:$0x1] =	stream.indirect_vreg.gather [hbm4b:s1+s3], $0x80, v4, vm0, $0xb8;
	[tilespmem:$0x8080] =	vst v63  }
0x62: {  	_ = 	snop  }
0x63: {  	[tilespmem:s23], [sflag:$0x1] =	stream.indirect_vreg.gather [hbm4b:s1+s3], $0x80, v3, vm0, $0xb8;
	[tilespmem:$0x8080] =	vst v63  }
0x64: {  	_ =	swait.ge [sflag:s24], $0x8000  }
0x65: {  	p0 =	sne.s32 s6, $0x1;
	[sflag:s24] =	ssyncset.done $0x0  }
.Ltmp0:
0x66: {  	[sflag:s24] =	ssyncadd.s32 $0xFFFF8000;
	(pc) =	sbr.rel @p0 .LBB2_1-.Ltmp0, $4  }
0x67: {  	[hbm4b:s5+s3] =	stream.linear.scatter [tilespmem:s8], [sflag:$0x2], $0x8000, $0x38;
	[tilespmem:$0x8080] =	vst v63  }
0x68: {  	_ =	swait.ge [sflag:s7], $0x8000  }
0x69: {  	[sflag:s7] =	ssyncset.done $0x0  }
0x6a: {  	s6 =	sadd.s32 $0xFFFFFFFF, s6;
	[sflag:s7] =	ssyncadd.s32 $0xFFFF8000  }
0x6b: {  	_ =	sfence.sel $0x180000  }
0x6c: {  	[bflag:$0x0] =	sbarrier.arrive $0xFFFF  }
0x6d: {  	p0 =	sne.s32 s2, $0x0;
	_ =	strace $0x90000047  }
0x6e: {  	s0 =	sadd.s32 @!p0 $0x100000, s0;
	[bflag:$0x2] =	sbarrier.arrive $0xFFFF  }
0x6f: {  	[sflag:s0] =	ssyncadd.tile.s32 @!p0 $0x1;
	_ =	shalt  }
.Lfunc_end2:
_tile_overlayer_lowered:
.L_overlay_start_2:
0x70: {  	(tag) =	ssettag $0x2  }
0x71: {  	s0 =	rddreg [dreg:$0x0];
	s2 =	stileid.u32  }
0x72: {  	s1 =	rddreg [dreg:$0x1];
	p0 =	sne.s32 s2, $0x0  }
0x73: {  	s3 =	rddreg [dreg:$0x2];
	[bflag:$0x3] =	sbarrier.arrive $0xFFFF;
	s2 =	simm.s32 @!p0 $0x1C02  }
0x74: {  	[timem:s3], [sflag:s2] =	dma.local @!p0 [hbm:s0], s1  }
0x75: {  	s0 =	simm.s32 @!p0 $0x2  }
0x76: {  	_ =	swait.ge @!p0 [sflag:s0], s1  }
0x77: {  	s1 =	ssub.s32 @!p0 $0x0, s1;
	[sflag:s0] =	ssyncset.done @!p0 $0x0  }
0x78: {  	[sflag:s0] =	ssyncadd.s32 @!p0 s1  }
0x79: {  	[bflag:$0x3] =	sbarrier.arrive $0xFFFF  }
0x7a: {  	_ =	shalt  }

</sc_bundles>
